<compile_context>
chip_gen: v7x
topology: tpu7x:2x2x1
jax: 0.10.2.dev20260603
libtpu: 0.0.44.dev20260713+nightly
codegen_flags: <defaults>
</compile_context>

<pallas_src>
import jax
import jax.numpy as jnp
from jax import lax
from jax.experimental import pallas as pl
from jax.experimental.pallas import tpu as pltpu
from jax.experimental.pallas import tpu_sc as plsc

_B, _S, _D, _H, _DH = 2, 512, 768, 12, 64
_E, _K, _DFF = 8, 2, 1536
_N = 2 * _S
_T = _B * _N
_RB = 256

_P = _T * _K
_FB = 128
_NB = 40
_PP = _NB * _FB
_NW = 32
_TW = _T // _NW
_PR = 32


def _bdot(a, b):
    return jnp.dot(a.astype(jnp.bfloat16), b.astype(jnp.bfloat16),
                   preferred_element_type=jnp.float32)


def _ln_qkv_kern(x_ref, w_ref, g_ref, b_ref, o_ref):
    x = x_ref[...]
    mu = jnp.mean(x, axis=-1, keepdims=True)
    var = jnp.mean((x - mu) ** 2, axis=-1, keepdims=True)
    xn = (x - mu) / jnp.sqrt(var + 1e-5) * g_ref[...] + b_ref[...]
    o_ref[...] = _bdot(xn, w_ref[...])


def _attn_kern(q_ref, k_ref, v_ref, o_ref):
    q = q_ref[0]
    k = k_ref[0]
    v = v_ref[0]
    s = lax.dot_general(q.astype(jnp.bfloat16), k.astype(jnp.bfloat16),
                        (((1,), (1,)), ((), ())),
                        preferred_element_type=jnp.float32)
    s = s * (_DH ** -0.5)
    m = jnp.max(s, axis=-1, keepdims=True)
    p = jnp.exp(s - m)
    p = p / jnp.sum(p, axis=-1, keepdims=True)
    o_ref[0] = _bdot(p, v)


def _proj_kern(a_ref, wp_ref, bp_ref, xr_ref):
    xr = _bdot(a_ref[...], wp_ref[...]) + bp_ref[...]
    xr_ref[...] = xr + xr


def _dispatch_kern(e_ref, pos_ref, meta_ref):
    ids = e_ref[...]
    iu = lax.broadcasted_iota(jnp.int32, (128, 128), 0)
    ju = lax.broadcasted_iota(jnp.int32, (128, 128), 1)
    upper = (iu <= ju).astype(jnp.float32)
    ir = lax.broadcasted_iota(jnp.int32, (_PR, _PR), 0)
    jr = lax.broadcasted_iota(jnp.int32, (_PR, _PR), 1)
    strict = (jr < ir).astype(jnp.float32)
    cum = []
    counts = []
    for e in range(_E):
        m = (ids == e).astype(jnp.float32)
        c_in = jnp.dot(m, upper, preferred_element_type=jnp.float32)
        rowtot = jnp.sum(m, axis=1, keepdims=True)
        carry = jnp.dot(strict, rowtot, preferred_element_type=jnp.float32)
        cum.append(c_in - 1.0 + carry)
        counts.append(jnp.sum(m).astype(jnp.int32))
    base_slots = []
    ends_blk = []
    acc = jnp.int32(0)
    acc_blk = jnp.int32(0)
    for e in range(_E):
        base_slots.append(acc)
        nb = (counts[e] + (_FB - 1)) // _FB
        acc = acc + nb * _FB
        acc_blk = acc_blk + nb
        ends_blk.append(acc_blk)
    pos = jnp.zeros((_PR, 128), jnp.float32)
    for e in range(_E):
        pos = pos + (ids == e).astype(jnp.float32) * (
            cum[e] + base_slots[e].astype(jnp.float32))
    pos_ref[...] = pos.astype(jnp.int32)

    li = lax.broadcasted_iota(jnp.int32, (8, 128), 1)
    rsel = lax.broadcasted_iota(jnp.int32, (8, 128), 0)
    blk = jnp.zeros((8, 128), jnp.int32)
    for e in range(_E):
        blk = blk + (li >= ends_blk[e]).astype(jnp.int32)
    blk = jnp.minimum(blk, _E - 1)
    nact = ends_blk[_E - 1]
    act = (li < nact).astype(jnp.int32)
    meta_ref[...] = jnp.where(rsel == 0, blk, jnp.where(rsel == 1, act, 0))


def _sc_scatter(h_hbm, posk_hbm, xs_hbm, hv, idx_v, sem):
    c = lax.axis_index("c")
    s = lax.axis_index("s")
    wid = c * (_NW // 2) + s
    t0 = wid * _TW
    pltpu.sync_copy(h_hbm.at[pl.ds(t0, _TW)], hv)
    for k in range(_K):
        pltpu.sync_copy(posk_hbm.at[pl.ds(k * _T + t0, _TW)], idx_v)
        pltpu.async_copy(hv, xs_hbm.at[idx_v], sem).wait()


def _sc_pair_gather(ys_hbm, posk_hbm, y0_hbm, y1_hbm, idx_v, rows_v, sem):
    c = lax.axis_index("c")
    s = lax.axis_index("s")
    wid = c * (_NW // 2) + s
    t0 = wid * _TW
    for k in range(_K):
        out_hbm = y0_hbm if k == 0 else y1_hbm
        pltpu.sync_copy(posk_hbm.at[pl.ds(k * _T + t0, _TW)], idx_v)
        pltpu.async_copy(ys_hbm.at[idx_v], rows_v, sem).wait()
        pltpu.sync_copy(rows_v, out_hbm.at[pl.ds(t0, _TW)])


def _combine_ln_kern(xr_ref, y0_ref, y1_ref, conf_ref, g_ref, b_ref, o_ref):
    cf = conf_ref[...]
    y = (xr_ref[...] + cf[:, 0:1] * y0_ref[...] + cf[:, 1:2] * y1_ref[...])
    mu = jnp.mean(y, axis=-1, keepdims=True)
    var = jnp.mean((y - mu) ** 2, axis=-1, keepdims=True)
    o_ref[...] = (y - mu) / jnp.sqrt(var + 1e-5) * g_ref[...] + b_ref[...]


def _ff_group_kern(be_ref, act_ref, xs_ref, w1_ref, b1_ref, w2_ref, b2_ref,
                   ys_ref):
    i = pl.program_id(0)

    @pl.when(act_ref[i] == 1)
    def _():
        x = xs_ref[...]
        hid = _bdot(x, w1_ref[0]) + b1_ref[0]
        hid = 0.5 * hid * (1.0 + lax.erf(hid * (2.0 ** -0.5)))
        ys_ref[...] = _bdot(hid, w2_ref[0]) + b2_ref[0]


def _final_ln_kern(x_ref, g_ref, b_ref, o_ref):
    y = x_ref[...]
    mu = jnp.mean(y, axis=-1, keepdims=True)
    var = jnp.mean((y - mu) ** 2, axis=-1, keepdims=True)
    o_ref[...] = (y - mu) / jnp.sqrt(var + 1e-5) * g_ref[...] + b_ref[...]


def _row_spec(nc):
    return pl.BlockSpec((_RB, nc), lambda i: (i, 0))


def _full_spec(shape):
    nd = len(shape)
    return pl.BlockSpec(shape, lambda *_: (0,) * nd)


def _ln_ref(x, g, b, eps=1e-5):
    mu = jnp.mean(x, axis=-1, keepdims=True)
    var = jnp.mean((x - mu) ** 2, axis=-1, keepdims=True)
    return (x - mu) / jnp.sqrt(var + eps) * g + b


def _router_selection(x1, x2, ln1_g, ln1_b, Wq, Wkv, Wp, bp, ln2_g, ln2_b,
                      Wr, br):
    xcat = jnp.concatenate([x1, x2], axis=1)
    xn = _ln_ref(xcat, ln1_g, ln1_b)
    Bx, N, C = xn.shape
    q = (xn @ Wq).reshape(Bx, N, _H, _DH).transpose(0, 2, 1, 3)
    kv = (xn @ Wkv).reshape(Bx, N, 2, _H, _DH).transpose(2, 0, 3, 1, 4)
    k, v = kv[0], kv[1]
    a = jnp.einsum('bhnd,bhmd->bhnm', q, k) * (_DH ** -0.5)
    a = jax.nn.softmax(a, axis=-1)
    o = jnp.einsum('bhnm,bhmd->bhnd', a, v)
    o = o.transpose(0, 2, 1, 3).reshape(Bx, N, C)
    ao = o @ Wp + bp
    xr = ao + ao
    h = _ln_ref(xr, ln2_g, ln2_b)
    logits = h @ Wr + br
    gates = jax.nn.softmax(logits, axis=-1)
    topv, topi = jax.lax.top_k(gates, _K)
    conf = topv / jnp.sum(topv, axis=-1, keepdims=True)
    return gates, conf, topi, h


def kernel(x1, x2, ms_mask1, ms_mask2, ln1_g, ln1_b, Wq, Wkv, Wp, bp,
           ln2_g, ln2_b, Wr, br, W1, b1, W2, b2, lnc_g, lnc_b):
    f32 = jnp.float32
    gates, conf, topi, h3 = _router_selection(
        x1, x2, ln1_g, ln1_b, Wq, Wkv, Wp, bp, ln2_g, ln2_b, Wr, br)
    h = h3.reshape(_T, _D)

    x2d = jnp.concatenate([x1, x2], axis=1).reshape(_T, _D)
    wqkv = jnp.concatenate([Wq, Wkv], axis=1)

    qkv = pl.pallas_call(
        _ln_qkv_kern,
        grid=(_T // _RB,),
        in_specs=[_row_spec(_D), _full_spec((_D, 3 * _D)),
                  _full_spec((1, _D)), _full_spec((1, _D))],
        out_specs=_row_spec(3 * _D),
        out_shape=jax.ShapeDtypeStruct((_T, 3 * _D), f32),
    )(x2d, wqkv, ln1_g.reshape(1, _D), ln1_b.reshape(1, _D))

    def _heads(m):
        return m.reshape(_B, _N, _H, _DH).transpose(0, 2, 1, 3).reshape(
            _B * _H, _N, _DH)

    q = _heads(qkv[:, :_D])
    k = _heads(qkv[:, _D:2 * _D])
    v = _heads(qkv[:, 2 * _D:])

    head_spec = pl.BlockSpec((1, _N, _DH), lambda i: (i, 0, 0))
    ao = pl.pallas_call(
        _attn_kern,
        grid=(_B * _H,),
        in_specs=[head_spec, head_spec, head_spec],
        out_specs=head_spec,
        out_shape=jax.ShapeDtypeStruct((_B * _H, _N, _DH), f32),
    )(q, k, v)
    ao2 = ao.reshape(_B, _H, _N, _DH).transpose(0, 2, 1, 3).reshape(_T, _D)

    xr = pl.pallas_call(
        _proj_kern,
        grid=(_T // _RB,),
        in_specs=[_row_spec(_D), _full_spec((_D, _D)), _full_spec((1, _D))],
        out_specs=_row_spec(_D),
        out_shape=jax.ShapeDtypeStruct((_T, _D), f32),
    )(ao2, Wp, bp.reshape(1, _D))

    eids = topi.reshape(_P).astype(jnp.int32)
    pos2d, meta = pl.pallas_call(
        _dispatch_kern,
        grid=(1,),
        in_specs=[_full_spec((_PR, 128))],
        out_specs=[_full_spec((_PR, 128)), _full_spec((8, 128))],
        out_shape=[jax.ShapeDtypeStruct((_PR, 128), jnp.int32),
                   jax.ShapeDtypeStruct((8, 128), jnp.int32)],
    )(eids.reshape(_PR, 128))

    posk = pos2d.reshape(_T, _K).transpose(1, 0).reshape(_K * _T)
    confk = conf.reshape(_T, _K).transpose(1, 0).reshape(_K * _T)
    blk = meta[0, :64]
    act = meta[1, :64]

    mesh = plsc.VectorSubcoreMesh(core_axis_name="c", subcore_axis_name="s")
    xs = pl.kernel(
        _sc_scatter,
        mesh=mesh,
        compiler_params=pltpu.CompilerParams(needs_layout_passes=False),
        out_type=jax.ShapeDtypeStruct((_PP, _D), f32),
        scratch_types=[pltpu.VMEM((_TW, _D), f32),
                       pltpu.VMEM((_TW,), jnp.int32),
                       pltpu.SemaphoreType.DMA],
    )(h, posk)

    ff_spec = pltpu.PrefetchScalarGridSpec(
        num_scalar_prefetch=2,
        grid=(_NB,),
        in_specs=[pl.BlockSpec((_FB, _D), lambda i, be, act: (i, 0)),
                  pl.BlockSpec((1, _D, _DFF), lambda i, be, act: (be[i], 0, 0)),
                  pl.BlockSpec((1, 1, _DFF), lambda i, be, act: (be[i], 0, 0)),
                  pl.BlockSpec((1, _DFF, _D), lambda i, be, act: (be[i], 0, 0)),
                  pl.BlockSpec((1, 1, _D), lambda i, be, act: (be[i], 0, 0))],
        out_specs=pl.BlockSpec((_FB, _D), lambda i, be, act: (i, 0)),
    )
    ys = pl.pallas_call(
        _ff_group_kern,
        grid_spec=ff_spec,
        out_shape=jax.ShapeDtypeStruct((_PP, _D), f32),
    )(blk, act, xs, W1, b1.reshape(_E, 1, _DFF), W2, b2.reshape(_E, 1, _D))

    y0, y1 = pl.kernel(
        _sc_pair_gather,
        mesh=mesh,
        compiler_params=pltpu.CompilerParams(needs_layout_passes=False),
        out_type=[jax.ShapeDtypeStruct((_T, _D), f32),
                  jax.ShapeDtypeStruct((_T, _D), f32)],
        scratch_types=[pltpu.VMEM((_TW,), jnp.int32),
                       pltpu.VMEM((_TW, _D), f32),
                       pltpu.SemaphoreType.DMA],
    )(ys, posk)

    conf_p = jnp.pad(conf.reshape(_T, _K), ((0, 0), (0, 128 - _K)))
    y = pl.pallas_call(
        _combine_ln_kern,
        grid=(_T // _RB,),
        in_specs=[_row_spec(_D), _row_spec(_D), _row_spec(_D),
                  _row_spec(128), _full_spec((1, _D)), _full_spec((1, _D))],
        out_specs=_row_spec(_D),
        out_shape=jax.ShapeDtypeStruct((_T, _D), f32),
    )(xr, y0, y1, conf_p, lnc_g.reshape(1, _D), lnc_b.reshape(1, _D))

    y3 = y.reshape(_B, _N, _D)
    return (y3[:, :_S], y3[:, _S:], conf[:, :_S], conf[:, _S:],
            gates[:, :_S], gates[:, _S:])

# --- scband reference (transcript-rebuilt; emitter-appended) ---
"""Pipeline reference for scband-transformer-encoder-layer-79285096284560 (READ-ONLY COPY).

The authoritative reference and input builder live on the scoring server;
editing this copy changes nothing except your own understanding.
"""

import jax, jax.numpy as jnp
import numpy as np

B, S, D, H, DH = 2, 512, 768, 12, 64
E, K, DFF = 8, 2, 1536

def _ln(x, g, b, eps=1e-5):
    mu = jnp.mean(x, axis=-1, keepdims=True)
    var = jnp.mean((x - mu) ** 2, axis=-1, keepdims=True)
    return (x - mu) / jnp.sqrt(var + eps) * g + b

def setup_inputs(seed: int = 0):
    key = jax.random.key(seed)
    ks = jax.random.split(key, 10)
    s = 0.02
    d = {}
    d['x1'] = jax.random.normal(ks[0], (B, S, D), jnp.float32)
    d['x2'] = jax.random.normal(ks[1], (B, S, D), jnp.float32)
    d['ms_mask1'] = jnp.zeros((B,), dtype=bool)
    d['ms_mask2'] = jnp.zeros((B,), dtype=bool)
    d['ln1_g'] = jnp.ones((D,), jnp.float32); d['ln1_b'] = jnp.zeros((D,), jnp.float32)
    d['Wq'] = jax.random.normal(ks[2], (D, D), jnp.float32) * s
    d['Wkv'] = jax.random.normal(ks[3], (D, 2 * D), jnp.float32) * s
    d['Wp'] = jax.random.normal(ks[4], (D, D), jnp.float32) * s
    d['bp'] = jnp.zeros((D,), jnp.float32)
    d['ln2_g'] = jnp.ones((D,), jnp.float32); d['ln2_b'] = jnp.zeros((D,), jnp.float32)
    d['Wr'] = jax.random.normal(ks[5], (D, E), jnp.float32) * s
    d['br'] = jnp.zeros((E,), jnp.float32)
    d['W1'] = jax.random.normal(ks[6], (E, D, DFF), jnp.float32) * s
    d['b1'] = jnp.zeros((E, DFF), jnp.float32)
    d['W2'] = jax.random.normal(ks[7], (E, DFF, D), jnp.float32) * s
    d['b2'] = jnp.zeros((E, D), jnp.float32)
    d['lnc_g'] = jnp.ones((D,), jnp.float32); d['lnc_b'] = jnp.zeros((D,), jnp.float32)
    return d

def _attention(x, Wq, Wkv, Wp, bp):
    Bx, N, C = x.shape
    q = (x @ Wq).reshape(Bx, N, H, DH).transpose(0, 2, 1, 3)
    kv = (x @ Wkv).reshape(Bx, N, 2, H, DH).transpose(2, 0, 3, 1, 4)
    k, v = kv[0], kv[1]
    a = jnp.einsum('bhnd,bhmd->bhnm', q, k) * (DH ** -0.5)
    a = jax.nn.softmax(a, axis=-1)
    o = jnp.einsum('bhnm,bhmd->bhnd', a, v)
    o = o.transpose(0, 2, 1, 3).reshape(Bx, N, C)
    return o @ Wp + bp

def _moe(h, Wr, br, W1, b1, W2, b2):
    logits = h @ Wr + br
    gates = jax.nn.softmax(logits, axis=-1)
    topv, topi = jax.lax.top_k(gates, K)
    hid = jax.nn.gelu(jnp.einsum('bsd,edf->bsef', h, W1) + b1, approximate=False)
    eout = jnp.einsum('bsef,efd->bsed', hid, W2) + b2
    out = jnp.take_along_axis(eout, topi[..., None], axis=2)
    conf = topv / jnp.sum(topv, axis=-1, keepdims=True)
    return out, conf, gates

def reference(x1, x2, ms_mask1, ms_mask2, ln1_g, ln1_b, Wq, Wkv, Wp, bp, ln2_g, ln2_b, Wr, br, W1, b1, W2, b2, lnc_g, lnc_b):
    xcat = jnp.concatenate([x1, x2], axis=1)
    xn = _ln(xcat, ln1_g, ln1_b)
    ao = _attention(xn, Wq, Wkv, Wp, bp)
    xr = ao + ao  # faithful to torch: x = attn_out + dropout1(attn_out), dropout=identity in eval
    parts = [xr[:, :S], xr[:, S:]]
    outs, confs, pgs = [], [], []
    for p in parts:
        o, c, g = _moe(_ln(p, ln2_g, ln2_b), Wr, br, W1, b1, W2, b2)
        comb = jnp.einsum('bske,bsk->bse', o, c)
        outs.append(_ln(p + comb, lnc_g, lnc_b))
        confs.append(c)
        pgs.append(g)
    return (outs[0], outs[1], confs[0], confs[1], pgs[0], pgs[1])

if __name__ == "__main__":
    import jax
    _d = setup_inputs()
    print(jax.jit(kernel)(*tuple(_d.values())))

</pallas_src>

<mosaic_0001>
#map = affine_map<(d0, d1) -> (0, 0)>
#map1 = affine_map<(d0, d1) -> (0)>
module attributes {stable_mosaic.version = 14 : i64} {
  func.func @_sc_scatter(%arg0: i32, %arg1: i32, %arg2: memref<2048x768xf32, #tpu.memory_space<hbm>>, %arg3: memref<4096xi32, #tpu.memory_space<hbm>>, %arg4: memref<5120x768xf32, #tpu.memory_space<hbm>>, %arg5: memref<64x768xf32, #tpu.memory_space<vmem>>, %arg6: memref<64xi32, #tpu.memory_space<vmem>>, %arg7: memref<!tpu.dma_semaphore, #tpu.memory_space<semaphore_mem>>) attributes {dimension_semantics = [#tpu.dimension_semantics<core_parallel>, #tpu.dimension_semantics<subcore_parallel>], iteration_bounds = array<i64: 2, 16>, scalar_prefetch = 0 : i64, scratch_operands = 3 : i64, tpu.core_type = #tpu.core_type<sc_vector_subcore>, window_params = [{transform_indices = #map}, {transform_indices = #map1}, {transform_indices = #map}]} {
    %mul3A = arith.constant 16 : i32
    %mul3A_0 = arith.muli %arg0, %mul3A : i32
    %add3A = arith.addi %mul3A_0, %arg1 : i32
    %mul3A_1 = arith.constant 64 : i32
    %mul3A_2 = arith.muli %add3A, %mul3A_1 : i32
    "tpu.region"() ({
      %run_scoped3A = tpu.sem_alloc : memref<!tpu.dma_semaphore, #tpu.memory_space<semaphore_mem>>
      %dma_start3A_17 = arith.constant 0 : i32
      %dma_start3A_18 = tpu.memref_slice %arg2[%mul3A_2, %dma_start3A_17] : memref<2048x768xf32, #tpu.memory_space<hbm>> -> memref<64x768xf32, #tpu.memory_space<hbm>>
      %dma_start3A_19 = arith.constant 0 : i32
      %dma_start3A_20 = tpu.memref_slice %arg2[%mul3A_2, %dma_start3A_19] : memref<2048x768xf32, #tpu.memory_space<hbm>> -> memref<64x768xf32, #tpu.memory_space<hbm>>
      tpu.enqueue_dma source(%dma_start3A_20 : memref<64x768xf32, #tpu.memory_space<hbm>>) target(%arg5 : memref<64x768xf32, #tpu.memory_space<vmem>>) target_semaphore(%run_scoped3A : memref<!tpu.dma_semaphore, #tpu.memory_space<semaphore_mem>>)
      %dma_wait3A_21 = arith.constant 0 : i32
      %dma_wait3A_22 = tpu.memref_slice %arg2[%mul3A_2, %dma_wait3A_21] : memref<2048x768xf32, #tpu.memory_space<hbm>> -> memref<64x768xf32, #tpu.memory_space<hbm>>
      %dma_wait3A_23 = arith.constant 0 : i32
      %dma_wait3A_24 = tpu.memref_slice %arg2[%mul3A_2, %dma_wait3A_23] : memref<2048x768xf32, #tpu.memory_space<hbm>> -> memref<64x768xf32, #tpu.memory_space<hbm>>
      tpu.wait_dma2 semaphore(%run_scoped3A : memref<!tpu.dma_semaphore, #tpu.memory_space<semaphore_mem>>) src(%dma_wait3A_24 : memref<64x768xf32, #tpu.memory_space<hbm>>) dst(%arg5 : memref<64x768xf32, #tpu.memory_space<vmem>>)
      tpu.yield
    }) : () -> ()
    %add3A_3 = arith.constant 0 : i32
    %add3A_4 = arith.addi %add3A_3, %mul3A_2 : i32
    "tpu.region"() ({
      %run_scoped3A = tpu.sem_alloc : memref<!tpu.dma_semaphore, #tpu.memory_space<semaphore_mem>>
      %dma_start3A_17 = tpu.memref_slice %arg3[%add3A_4] : memref<4096xi32, #tpu.memory_space<hbm>> -> memref<64xi32, #tpu.memory_space<hbm>>
      %dma_start3A_18 = tpu.memref_slice %arg3[%add3A_4] : memref<4096xi32, #tpu.memory_space<hbm>> -> memref<64xi32, #tpu.memory_space<hbm>>
      tpu.enqueue_dma source(%dma_start3A_18 : memref<64xi32, #tpu.memory_space<hbm>>) target(%arg6 : memref<64xi32, #tpu.memory_space<vmem>>) target_semaphore(%run_scoped3A : memref<!tpu.dma_semaphore, #tpu.memory_space<semaphore_mem>>)
      %dma_wait3A_19 = tpu.memref_slice %arg3[%add3A_4] : memref<4096xi32, #tpu.memory_space<hbm>> -> memref<64xi32, #tpu.memory_space<hbm>>
      %dma_wait3A_20 = tpu.memref_slice %arg3[%add3A_4] : memref<4096xi32, #tpu.memory_space<hbm>> -> memref<64xi32, #tpu.memory_space<hbm>>
      tpu.wait_dma2 semaphore(%run_scoped3A : memref<!tpu.dma_semaphore, #tpu.memory_space<semaphore_mem>>) src(%dma_wait3A_20 : memref<64xi32, #tpu.memory_space<hbm>>) dst(%arg6 : memref<64xi32, #tpu.memory_space<vmem>>)
      tpu.yield
    }) : () -> ()
    %dma_start3A = arith.constant 0 : i32
    %dma_start3A_5 = arith.constant 0 : i32
    %dma_start3A_6 = tpu.memref_slice %arg4[%dma_start3A, %dma_start3A_5] : memref<5120x768xf32, #tpu.memory_space<hbm>> -> memref<5120x768xf32, #tpu.memory_space<hbm>>
    tpu.enqueue_indirect_dma source(%arg5 : memref<64x768xf32, #tpu.memory_space<vmem>>) target(%dma_start3A_6 : memref<5120x768xf32, #tpu.memory_space<hbm>>) offsets(%arg6 : memref<64xi32, #tpu.memory_space<vmem>>) semaphore(%arg7 : memref<!tpu.dma_semaphore, #tpu.memory_space<semaphore_mem>>)
    %dma_wait3A = arith.constant 0 : i32
    %dma_wait3A_7 = arith.constant 0 : i32
    %dma_wait3A_8 = tpu.memref_slice %arg4[%dma_wait3A, %dma_wait3A_7] : memref<5120x768xf32, #tpu.memory_space<hbm>> -> memref<5120x768xf32, #tpu.memory_space<hbm>>
    tpu.wait_indirect_dma semaphore(%arg7 : memref<!tpu.dma_semaphore, #tpu.memory_space<semaphore_mem>>) src(%arg5 : memref<64x768xf32, #tpu.memory_space<vmem>>) dst(%dma_wait3A_8 : memref<5120x768xf32, #tpu.memory_space<hbm>>)
    %add3A_9 = arith.constant 2048 : i32
    %add3A_10 = arith.addi %add3A_9, %mul3A_2 : i32
    "tpu.region"() ({
      %run_scoped3A = tpu.sem_alloc : memref<!tpu.dma_semaphore, #tpu.memory_space<semaphore_mem>>
      %dma_start3A_17 = tpu.memref_slice %arg3[%add3A_10] : memref<4096xi32, #tpu.memory_space<hbm>> -> memref<64xi32, #tpu.memory_space<hbm>>
      %dma_start3A_18 = tpu.memref_slice %arg3[%add3A_10] : memref<4096xi32, #tpu.memory_space<hbm>> -> memref<64xi32, #tpu.memory_space<hbm>>
      tpu.enqueue_dma source(%dma_start3A_18 : memref<64xi32, #tpu.memory_space<hbm>>) target(%arg6 : memref<64xi32, #tpu.memory_space<vmem>>) target_semaphore(%run_scoped3A : memref<!tpu.dma_semaphore, #tpu.memory_space<semaphore_mem>>)
      %dma_wait3A_19 = tpu.memref_slice %arg3[%add3A_10] : memref<4096xi32, #tpu.memory_space<hbm>> -> memref<64xi32, #tpu.memory_space<hbm>>
      %dma_wait3A_20 = tpu.memref_slice %arg3[%add3A_10] : memref<4096xi32, #tpu.memory_space<hbm>> -> memref<64xi32, #tpu.memory_space<hbm>>
      tpu.wait_dma2 semaphore(%run_scoped3A : memref<!tpu.dma_semaphore, #tpu.memory_space<semaphore_mem>>) src(%dma_wait3A_20 : memref<64xi32, #tpu.memory_space<hbm>>) dst(%arg6 : memref<64xi32, #tpu.memory_space<vmem>>)
      tpu.yield
    }) : () -> ()
    %dma_start3A_11 = arith.constant 0 : i32
    %dma_start3A_12 = arith.constant 0 : i32
    %dma_start3A_13 = tpu.memref_slice %arg4[%dma_start3A_11, %dma_start3A_12] : memref<5120x768xf32, #tpu.memory_space<hbm>> -> memref<5120x768xf32, #tpu.memory_space<hbm>>
    tpu.enqueue_indirect_dma source(%arg5 : memref<64x768xf32, #tpu.memory_space<vmem>>) target(%dma_start3A_13 : memref<5120x768xf32, #tpu.memory_space<hbm>>) offsets(%arg6 : memref<64xi32, #tpu.memory_space<vmem>>) semaphore(%arg7 : memref<!tpu.dma_semaphore, #tpu.memory_space<semaphore_mem>>)
    %dma_wait3A_14 = arith.constant 0 : i32
    %dma_wait3A_15 = arith.constant 0 : i32
    %dma_wait3A_16 = tpu.memref_slice %arg4[%dma_wait3A_14, %dma_wait3A_15] : memref<5120x768xf32, #tpu.memory_space<hbm>> -> memref<5120x768xf32, #tpu.memory_space<hbm>>
    tpu.wait_indirect_dma semaphore(%arg7 : memref<!tpu.dma_semaphore, #tpu.memory_space<semaphore_mem>>) src(%arg5 : memref<64x768xf32, #tpu.memory_space<vmem>>) dst(%dma_wait3A_16 : memref<5120x768xf32, #tpu.memory_space<hbm>>)
    return
  }
}

#map = affine_map<(d0, d1) -> (0, 0)>
#map1 = affine_map<(d0, d1) -> (0)>
module attributes {stable_mosaic.version = 14 : i64} {
  func.func @_sc_pair_gather(%arg0: i32, %arg1: i32, %arg2: memref<5120x768xf32, #tpu.memory_space<hbm>>, %arg3: memref<4096xi32, #tpu.memory_space<hbm>>, %arg4: memref<2048x768xf32, #tpu.memory_space<hbm>>, %arg5: memref<2048x768xf32, #tpu.memory_space<hbm>>, %arg6: memref<64xi32, #tpu.memory_space<vmem>>, %arg7: memref<64x768xf32, #tpu.memory_space<vmem>>, %arg8: memref<!tpu.dma_semaphore, #tpu.memory_space<semaphore_mem>>) attributes {dimension_semantics = [#tpu.dimension_semantics<core_parallel>, #tpu.dimension_semantics<subcore_parallel>], iteration_bounds = array<i64: 2, 16>, scalar_prefetch = 0 : i64, scratch_operands = 3 : i64, tpu.core_type = #tpu.core_type<sc_vector_subcore>, window_params = [{transform_indices = #map}, {transform_indices = #map1}, {transform_indices = #map}, {transform_indices = #map}]} {
    %mul3A = arith.constant 16 : i32
    %mul3A_0 = arith.muli %arg0, %mul3A : i32
    %add3A = arith.addi %mul3A_0, %arg1 : i32
    %mul3A_1 = arith.constant 64 : i32
    %mul3A_2 = arith.muli %add3A, %mul3A_1 : i32
    %add3A_3 = arith.constant 0 : i32
    %add3A_4 = arith.addi %add3A_3, %mul3A_2 : i32
    "tpu.region"() ({
      %run_scoped3A = tpu.sem_alloc : memref<!tpu.dma_semaphore, #tpu.memory_space<semaphore_mem>>
      %dma_start3A_17 = tpu.memref_slice %arg3[%add3A_4] : memref<4096xi32, #tpu.memory_space<hbm>> -> memref<64xi32, #tpu.memory_space<hbm>>
      %dma_start3A_18 = tpu.memref_slice %arg3[%add3A_4] : memref<4096xi32, #tpu.memory_space<hbm>> -> memref<64xi32, #tpu.memory_space<hbm>>
      tpu.enqueue_dma source(%dma_start3A_18 : memref<64xi32, #tpu.memory_space<hbm>>) target(%arg6 : memref<64xi32, #tpu.memory_space<vmem>>) target_semaphore(%run_scoped3A : memref<!tpu.dma_semaphore, #tpu.memory_space<semaphore_mem>>)
      %dma_wait3A_19 = tpu.memref_slice %arg3[%add3A_4] : memref<4096xi32, #tpu.memory_space<hbm>> -> memref<64xi32, #tpu.memory_space<hbm>>
      %dma_wait3A_20 = tpu.memref_slice %arg3[%add3A_4] : memref<4096xi32, #tpu.memory_space<hbm>> -> memref<64xi32, #tpu.memory_space<hbm>>
      tpu.wait_dma2 semaphore(%run_scoped3A : memref<!tpu.dma_semaphore, #tpu.memory_space<semaphore_mem>>) src(%dma_wait3A_20 : memref<64xi32, #tpu.memory_space<hbm>>) dst(%arg6 : memref<64xi32, #tpu.memory_space<vmem>>)
      tpu.yield
    }) : () -> ()
    %dma_start3A = arith.constant 0 : i32
    %dma_start3A_5 = arith.constant 0 : i32
    %dma_start3A_6 = tpu.memref_slice %arg2[%dma_start3A, %dma_start3A_5] : memref<5120x768xf32, #tpu.memory_space<hbm>> -> memref<5120x768xf32, #tpu.memory_space<hbm>>
    tpu.enqueue_indirect_dma source(%dma_start3A_6 : memref<5120x768xf32, #tpu.memory_space<hbm>>) target(%arg7 : memref<64x768xf32, #tpu.memory_space<vmem>>) offsets(%arg6 : memref<64xi32, #tpu.memory_space<vmem>>) semaphore(%arg8 : memref<!tpu.dma_semaphore, #tpu.memory_space<semaphore_mem>>)
    %dma_wait3A = arith.constant 0 : i32
    %dma_wait3A_7 = arith.constant 0 : i32
    %dma_wait3A_8 = tpu.memref_slice %arg2[%dma_wait3A, %dma_wait3A_7] : memref<5120x768xf32, #tpu.memory_space<hbm>> -> memref<5120x768xf32, #tpu.memory_space<hbm>>
    tpu.wait_indirect_dma semaphore(%arg8 : memref<!tpu.dma_semaphore, #tpu.memory_space<semaphore_mem>>) src(%dma_wait3A_8 : memref<5120x768xf32, #tpu.memory_space<hbm>>) dst(%arg7 : memref<64x768xf32, #tpu.memory_space<vmem>>)
    "tpu.region"() ({
      %run_scoped3A = tpu.sem_alloc : memref<!tpu.dma_semaphore, #tpu.memory_space<semaphore_mem>>
      %dma_start3A_17 = arith.constant 0 : i32
      %dma_start3A_18 = tpu.memref_slice %arg4[%mul3A_2, %dma_start3A_17] : memref<2048x768xf32, #tpu.memory_space<hbm>> -> memref<64x768xf32, #tpu.memory_space<hbm>>
      %dma_start3A_19 = arith.constant 0 : i32
      %dma_start3A_20 = tpu.memref_slice %arg4[%mul3A_2, %dma_start3A_19] : memref<2048x768xf32, #tpu.memory_space<hbm>> -> memref<64x768xf32, #tpu.memory_space<hbm>>
      tpu.enqueue_dma source(%arg7 : memref<64x768xf32, #tpu.memory_space<vmem>>) target(%dma_start3A_20 : memref<64x768xf32, #tpu.memory_space<hbm>>) target_semaphore(%run_scoped3A : memref<!tpu.dma_semaphore, #tpu.memory_space<semaphore_mem>>)
      %dma_wait3A_21 = arith.constant 0 : i32
      %dma_wait3A_22 = tpu.memref_slice %arg4[%mul3A_2, %dma_wait3A_21] : memref<2048x768xf32, #tpu.memory_space<hbm>> -> memref<64x768xf32, #tpu.memory_space<hbm>>
      %dma_wait3A_23 = arith.constant 0 : i32
      %dma_wait3A_24 = tpu.memref_slice %arg4[%mul3A_2, %dma_wait3A_23] : memref<2048x768xf32, #tpu.memory_space<hbm>> -> memref<64x768xf32, #tpu.memory_space<hbm>>
      tpu.wait_dma2 semaphore(%run_scoped3A : memref<!tpu.dma_semaphore, #tpu.memory_space<semaphore_mem>>) src(%arg7 : memref<64x768xf32, #tpu.memory_space<vmem>>) dst(%dma_wait3A_24 : memref<64x768xf32, #tpu.memory_space<hbm>>)
      tpu.yield
    }) : () -> ()
    %add3A_9 = arith.constant 2048 : i32
    %add3A_10 = arith.addi %add3A_9, %mul3A_2 : i32
    "tpu.region"() ({
      %run_scoped3A = tpu.sem_alloc : memref<!tpu.dma_semaphore, #tpu.memory_space<semaphore_mem>>
      %dma_start3A_17 = tpu.memref_slice %arg3[%add3A_10] : memref<4096xi32, #tpu.memory_space<hbm>> -> memref<64xi32, #tpu.memory_space<hbm>>
      %dma_start3A_18 = tpu.memref_slice %arg3[%add3A_10] : memref<4096xi32, #tpu.memory_space<hbm>> -> memref<64xi32, #tpu.memory_space<hbm>>
      tpu.enqueue_dma source(%dma_start3A_18 : memref<64xi32, #tpu.memory_space<hbm>>) target(%arg6 : memref<64xi32, #tpu.memory_space<vmem>>) target_semaphore(%run_scoped3A : memref<!tpu.dma_semaphore, #tpu.memory_space<semaphore_mem>>)
      %dma_wait3A_19 = tpu.memref_slice %arg3[%add3A_10] : memref<4096xi32, #tpu.memory_space<hbm>> -> memref<64xi32, #tpu.memory_space<hbm>>
      %dma_wait3A_20 = tpu.memref_slice %arg3[%add3A_10] : memref<4096xi32, #tpu.memory_space<hbm>> -> memref<64xi32, #tpu.memory_space<hbm>>
      tpu.wait_dma2 semaphore(%run_scoped3A : memref<!tpu.dma_semaphore, #tpu.memory_space<semaphore_mem>>) src(%dma_wait3A_20 : memref<64xi32, #tpu.memory_space<hbm>>) dst(%arg6 : memref<64xi32, #tpu.memory_space<vmem>>)
      tpu.yield
    }) : () -> ()
    %dma_start3A_11 = arith.constant 0 : i32
    %dma_start3A_12 = arith.constant 0 : i32
    %dma_start3A_13 = tpu.memref_slice %arg2[%dma_start3A_11, %dma_start3A_12] : memref<5120x768xf32, #tpu.memory_space<hbm>> -> memref<5120x768xf32, #tpu.memory_space<hbm>>
    tpu.enqueue_indirect_dma source(%dma_start3A_13 : memref<5120x768xf32, #tpu.memory_space<hbm>>) target(%arg7 : memref<64x768xf32, #tpu.memory_space<vmem>>) offsets(%arg6 : memref<64xi32, #tpu.memory_space<vmem>>) semaphore(%arg8 : memref<!tpu.dma_semaphore, #tpu.memory_space<semaphore_mem>>)
    %dma_wait3A_14 = arith.constant 0 : i32
    %dma_wait3A_15 = arith.constant 0 : i32
    %dma_wait3A_16 = tpu.memref_slice %arg2[%dma_wait3A_14, %dma_wait3A_15] : memref<5120x768xf32, #tpu.memory_space<hbm>> -> memref<5120x768xf32, #tpu.memory_space<hbm>>
    tpu.wait_indirect_dma semaphore(%arg8 : memref<!tpu.dma_semaphore, #tpu.memory_space<semaphore_mem>>) src(%dma_wait3A_16 : memref<5120x768xf32, #tpu.memory_space<hbm>>) dst(%arg7 : memref<64x768xf32, #tpu.memory_space<vmem>>)
    "tpu.region"() ({
      %run_scoped3A = tpu.sem_alloc : memref<!tpu.dma_semaphore, #tpu.memory_space<semaphore_mem>>
      %dma_start3A_17 = arith.constant 0 : i32
      %dma_start3A_18 = tpu.memref_slice %arg5[%mul3A_2, %dma_start3A_17] : memref<2048x768xf32, #tpu.memory_space<hbm>> -> memref<64x768xf32, #tpu.memory_space<hbm>>
      %dma_start3A_19 = arith.constant 0 : i32
      %dma_start3A_20 = tpu.memref_slice %arg5[%mul3A_2, %dma_start3A_19] : memref<2048x768xf32, #tpu.memory_space<hbm>> -> memref<64x768xf32, #tpu.memory_space<hbm>>
      tpu.enqueue_dma source(%arg7 : memref<64x768xf32, #tpu.memory_space<vmem>>) target(%dma_start3A_20 : memref<64x768xf32, #tpu.memory_space<hbm>>) target_semaphore(%run_scoped3A : memref<!tpu.dma_semaphore, #tpu.memory_space<semaphore_mem>>)
      %dma_wait3A_21 = arith.constant 0 : i32
      %dma_wait3A_22 = tpu.memref_slice %arg5[%mul3A_2, %dma_wait3A_21] : memref<2048x768xf32, #tpu.memory_space<hbm>> -> memref<64x768xf32, #tpu.memory_space<hbm>>
      %dma_wait3A_23 = arith.constant 0 : i32
      %dma_wait3A_24 = tpu.memref_slice %arg5[%mul3A_2, %dma_wait3A_23] : memref<2048x768xf32, #tpu.memory_space<hbm>> -> memref<64x768xf32, #tpu.memory_space<hbm>>
      tpu.wait_dma2 semaphore(%run_scoped3A : memref<!tpu.dma_semaphore, #tpu.memory_space<semaphore_mem>>) src(%arg7 : memref<64x768xf32, #tpu.memory_space<vmem>>) dst(%dma_wait3A_24 : memref<64x768xf32, #tpu.memory_space<hbm>>)
      tpu.yield
    }) : () -> ()
    return
  }
}

module {
  func.func @main(%arg0: i32, %arg1: i32, %arg2: i32, %arg3: i32, %arg4: memref<1x1x1024x1024xf32, #tpu.memory_space<vmem>>, %arg5: memref<1x1x1024x64xf32, #tpu.memory_space<vmem>>, %arg6: memref<1x1x1024x64xf32, #tpu.memory_space<vmem>>, %arg7: memref<1x1x1024x1xf32, #tpu.memory_space<vmem>>, %arg8: memref<1x1x1024x1xf32, #tpu.memory_space<vmem>>) attributes {dimension_semantics = [#tpu.dimension_semantics<parallel>, #tpu.dimension_semantics<parallel>, #tpu.dimension_semantics<parallel>, #tpu.dimension_semantics<arbitrary>], iteration_bounds = array<i64: 2, 12, 1, 1>, scratch_operands = 2 : i64, window_params = [{transform_indices = @qk_fn, window_bounds = array<i64: 1, 1, 1024, 1024>}, {transform_indices = @v_fn, window_bounds = array<i64: 1, 1, 1024, 64>}, {transform_indices = @oi_fn, window_bounds = array<i64: 1, 1, 1024, 64>}]} {
    %c0 = arith.constant 0 : index
    %c0_i32 = arith.constant 0 : i32
    %0 = arith.cmpi eq, %c0_i32, %arg3 : i32
    scf.if %0 {
      %cst_3 = arith.constant dense<0.000000e+00> : vector<1x1x1024x64xf32>
      vector.store %cst_3, %arg6[%c0, %c0, %c0, %c0] : memref<1x1x1024x64xf32, #tpu.memory_space<vmem>>, vector<1x1x1024x64xf32>
      %cst_4 = arith.constant dense<0xFF800000> : vector<1x1x1024x1xf32>
      vector.store %cst_4, %arg7[%c0, %c0, %c0, %c0] : memref<1x1x1024x1xf32, #tpu.memory_space<vmem>>, vector<1x1x1024x1xf32>
      %cst_5 = arith.constant dense<0.000000e+00> : vector<1x1x1024x1xf32>
      vector.store %cst_5, %arg8[%c0, %c0, %c0, %c0] : memref<1x1x1024x1xf32, #tpu.memory_space<vmem>>, vector<1x1x1024x1xf32>
    }
    %1 = vector.load %arg4[%c0, %c0, %c0, %c0] : memref<1x1x1024x1024xf32, #tpu.memory_space<vmem>>, vector<1x1x1024x1024xf32>
    %cst = arith.constant dense<0xFF800000> : vector<1x1x1024xf32>
    %2 = vector.multi_reduction <maximumf>, %1, %cst [3] : vector<1x1x1024x1024xf32> to vector<1x1x1024xf32>
    %3 = vector.shape_cast %2 : vector<1x1x1024xf32> to vector<1x1x1024x1xf32>
    %4 = vector.load %arg7[%c0, %c0, %c0, %c0] : memref<1x1x1024x1xf32, #tpu.memory_space<vmem>>, vector<1x1x1024x1xf32>
    %5 = arith.maximumf %4, %3 : vector<1x1x1024x1xf32>
    %cst_0 = arith.constant dense<0.000000e+00> : vector<1x1x1024x1xf32>
    %6 = arith.cmpf oeq, %4, %5 : vector<1x1x1024x1xf32>
    %7 = arith.subf %4, %5 : vector<1x1x1024x1xf32>
    %8 = arith.select %6, %cst_0, %7 : vector<1x1x1024x1xi1>, vector<1x1x1024x1xf32>
    %9 = vector.broadcast %5 : vector<1x1x1024x1xf32> to vector<1x1x1024x1024xf32>
    %10 = arith.subf %1, %9 : vector<1x1x1024x1024xf32>
    %11 = math.exp %10 : vector<1x1x1024x1024xf32>
    %cst_1 = arith.constant dense<0.000000e+00> : vector<1x1x1024xf32>
    %12 = vector.multi_reduction <add>, %11, %cst_1 [3] : vector<1x1x1024x1024xf32> to vector<1x1x1024xf32>
    %13 = vector.shape_cast %12 : vector<1x1x1024xf32> to vector<1x1x1024x1xf32>
    %14 = vector.load %arg8[%c0, %c0, %c0, %c0] : memref<1x1x1024x1xf32, #tpu.memory_space<vmem>>, vector<1x1x1024x1xf32>
    %15 = math.exp %8 : vector<1x1x1024x1xf32>
    %16 = arith.mulf %15, %14 : vector<1x1x1024x1xf32>
    %17 = arith.addf %16, %13 : vector<1x1x1024x1xf32>
    %18 = vector.load %arg6[%c0, %c0, %c0, %c0] : memref<1x1x1024x64xf32, #tpu.memory_space<vmem>>, vector<1x1x1024x64xf32>
    %19 = math.exp %8 : vector<1x1x1024x1xf32>
    %20 = arith.mulf %19, %14 : vector<1x1x1024x1xf32>
    %21 = vector.broadcast %20 : vector<1x1x1024x1xf32> to vector<1x1x1024x64xf32>
    %22 = arith.mulf %21, %18 : vector<1x1x1024x64xf32>
    %23 = vector.load %arg5[%c0, %c0, %c0, %c0] : memref<1x1x1024x64xf32, #tpu.memory_space<vmem>>, vector<1x1x1024x64xf32>
    %24 = vector.shape_cast %23 : vector<1x1x1024x64xf32> to vector<1024x64xf32>
    %25 = vector.shape_cast %11 : vector<1x1x1024x1024xf32> to vector<1024x1024xf32>
    %26 = vector.shape_cast %22 : vector<1x1x1024x64xf32> to vector<1024x64xf32>
    %27 = tpu.matmul %25, %24, %26 {dimension_numbers = #tpu.dot_dimension_numbers<[1], [0], [0], [1], [0, 0, 1, 1], [], []>, precision = #tpu.contract_precision<bf16>, transpose_lhs_hint = false} : vector<1024x1024xf32>, vector<1024x64xf32>, vector<1024x64xf32> -> vector<1024x64xf32>
    %28 = vector.shape_cast %27 : vector<1024x64xf32> to vector<1x1x1024x64xf32>
    %cst_2 = arith.constant dense<1.000000e+00> : vector<1x1x1024x1xf32>
    %29 = arith.divf %cst_2, %17 : vector<1x1x1024x1xf32>
    %30 = vector.broadcast %29 : vector<1x1x1024x1xf32> to vector<1x1x1024x64xf32>
    %31 = arith.mulf %28, %30 : vector<1x1x1024x64xf32>
    %32 = vector.shape_cast %31 : vector<1x1x1024x64xf32> to vector<1x1x1024x64xf32>
    vector.store %32, %arg6[%c0, %c0, %c0, %c0] : memref<1x1x1024x64xf32, #tpu.memory_space<vmem>>, vector<1x1x1024x64xf32>
    vector.store %5, %arg7[%c0, %c0, %c0, %c0] : memref<1x1x1024x1xf32, #tpu.memory_space<vmem>>, vector<1x1x1024x1xf32>
    vector.store %17, %arg8[%c0, %c0, %c0, %c0] : memref<1x1x1024x1xf32, #tpu.memory_space<vmem>>, vector<1x1x1024x1xf32>
    return
  }
  func.func @qk_fn(%arg0: i32, %arg1: i32, %arg2: i32, %arg3: i32) -> (i32, i32, i32, i32) {
    return %arg0, %arg1, %arg2, %arg3 : i32, i32, i32, i32
  }
  func.func @v_fn(%arg0: i32, %arg1: i32, %arg2: i32, %arg3: i32) -> (i32, i32, i32, i32) {
    %c0_i32 = arith.constant 0 : i32
    return %arg0, %arg1, %arg3, %c0_i32 : i32, i32, i32, i32
  }
  func.func @oi_fn(%arg0: i32, %arg1: i32, %arg2: i32, %arg3: i32) -> (i32, i32, i32, i32) {
    %c0_i32 = arith.constant 0 : i32
    return %arg0, %arg1, %arg2, %c0_i32 : i32, i32, i32, i32
  }
}

module attributes {stable_mosaic.version = 14 : i64} {
  func.func @_dispatch_kern(%arg0: i32, %arg1: memref<32x128xi32, #tpu.memory_space<vmem>>, %arg2: memref<32x128xi32, #tpu.memory_space<vmem>>, %arg3: memref<8x128xi32, #tpu.memory_space<vmem>>) attributes {dimension_semantics = [#tpu.dimension_semantics<arbitrary>], iteration_bounds = array<i64: 1>, scalar_prefetch = 0 : i64, scratch_operands = 0 : i64, tpu.core_type = #tpu.core_type<tc>, window_params = [{pipeline_mode = #tpu.pipeline_mode<synchronous>, transform_indices = @transform_0, window_bounds = array<i64: 32, 128>}, {pipeline_mode = #tpu.pipeline_mode<synchronous>, transform_indices = @transform_1, window_bounds = array<i64: 32, 128>}, {pipeline_mode = #tpu.pipeline_mode<synchronous>, transform_indices = @transform_2, window_bounds = array<i64: 8, 128>}]} {
    %get3A = arith.constant 0 : index
    %get3A_0 = arith.constant 0 : index
    %get3A_1 = vector.load %arg1[%get3A, %get3A_0] : memref<32x128xi32, #tpu.memory_space<vmem>>, vector<32x128xi32>
    %iota3A = tpu.iota {dimensions = array<i32: 0>} : vector<128x128xi32>
    %iota3A_2 = tpu.iota {dimensions = array<i32: 1>} : vector<128x128xi32>
    %le3A = arith.cmpi sle, %iota3A, %iota3A_2 : vector<128x128xi32>
    %convert_element_type3A = arith.extui %le3A : vector<128x128xi1> to vector<128x128xi32>
    %convert_element_type3A_3 = arith.sitofp %convert_element_type3A : vector<128x128xi32> to vector<128x128xf32>
    %iota3A_4 = tpu.iota {dimensions = array<i32: 0>} : vector<32x32xi32>
    %iota3A_5 = tpu.iota {dimensions = array<i32: 1>} : vector<32x32xi32>
    %lt3A = arith.cmpi slt, %iota3A_5, %iota3A_4 : vector<32x32xi32>
    %convert_element_type3A_6 = arith.extui %lt3A : vector<32x32xi1> to vector<32x32xi32>
    %convert_element_type3A_7 = arith.sitofp %convert_element_type3A_6 : vector<32x32xi32> to vector<32x32xf32>
    %eq3A = arith.constant 0 : i32
    %eq3A_8 = vector.broadcast %eq3A : i32 to vector<32x128xi32>
    %eq3A_9 = arith.cmpi eq, %get3A_1, %eq3A_8 : vector<32x128xi32>
    %convert_element_type3A_10 = arith.extui %eq3A_9 : vector<32x128xi1> to vector<32x128xi32>
    %convert_element_type3A_11 = arith.sitofp %convert_element_type3A_10 : vector<32x128xi32> to vector<32x128xf32>
    %dot_general3A = arith.constant dense<0.000000e+00> : vector<32x128xf32>
    %dot_general3A_12 = tpu.matmul %convert_element_type3A_11, %convert_element_type3A_3, %dot_general3A {dimension_numbers = #tpu.dot_dimension_numbers<[1], [0], [0], [1], [0, 0, 1, 1], [], []>, transpose_lhs_hint = false} : vector<32x128xf32>, vector<128x128xf32>, vector<32x128xf32> -> vector<32x128xf32>
    %reduce_sum3A = arith.constant dense<0.000000e+00> : vector<32xf32>
    %reduce_sum3A_13 = vector.multi_reduction <add>, %convert_element_type3A_11, %reduce_sum3A [1] : vector<32x128xf32> to vector<32xf32>
    %broadcast_in_dim3A = vector.shape_cast %reduce_sum3A_13 : vector<32xf32> to vector<32x1xf32>
    %dot_general3A_14 = arith.constant dense<0.000000e+00> : vector<32x1xf32>
    %dot_general3A_15 = tpu.matmul %convert_element_type3A_7, %broadcast_in_dim3A, %dot_general3A_14 {dimension_numbers = #tpu.dot_dimension_numbers<[1], [0], [0], [1], [0, 0, 1, 1], [], []>, transpose_lhs_hint = false} : vector<32x32xf32>, vector<32x1xf32>, vector<32x1xf32> -> vector<32x1xf32>
    %sub3A = arith.constant 1.000000e+00 : f32
    %sub3A_16 = vector.broadcast %sub3A : f32 to vector<32x128xf32>
    %sub3A_17 = arith.subf %dot_general3A_12, %sub3A_16 : vector<32x128xf32>
    %add3A = vector.broadcast %dot_general3A_15 : vector<32x1xf32> to vector<32x128xf32>
    %add3A_18 = arith.addf %sub3A_17, %add3A : vector<32x128xf32>
    %reduce_sum3A_19 = vector.shape_cast %convert_element_type3A_11 : vector<32x128xf32> to vector<1x32x128xf32>
    %reduce_sum3A_20 = arith.constant dense<0.000000e+00> : vector<1xf32>
    %reduce_sum3A_21 = vector.multi_reduction <add>, %reduce_sum3A_19, %reduce_sum3A_20 [1, 2] : vector<1x32x128xf32> to vector<1xf32>
    %reduce_sum3A_22 = vector.shape_cast %reduce_sum3A_21 : vector<1xf32> to vector<1x1x1xf32>
    %reduce_sum3A_23 = vector.extract %reduce_sum3A_22[0, 0, 0] : f32 from vector<1x1x1xf32>
    %convert_element_type3A_24 = arith.fptosi %reduce_sum3A_23 : f32 to i32
    %eq3A_25 = arith.constant 1 : i32
    %eq3A_26 = vector.broadcast %eq3A_25 : i32 to vector<32x128xi32>
    %eq3A_27 = arith.cmpi eq, %get3A_1, %eq3A_26 : vector<32x128xi32>
    %convert_element_type3A_28 = arith.extui %eq3A_27 : vector<32x128xi1> to vector<32x128xi32>
    %convert_element_type3A_29 = arith.sitofp %convert_element_type3A_28 : vector<32x128xi32> to vector<32x128xf32>
    %dot_general3A_30 = arith.constant dense<0.000000e+00> : vector<32x128xf32>
    %dot_general3A_31 = tpu.matmul %convert_element_type3A_29, %convert_element_type3A_3, %dot_general3A_30 {dimension_numbers = #tpu.dot_dimension_numbers<[1], [0], [0], [1], [0, 0, 1, 1], [], []>, transpose_lhs_hint = false} : vector<32x128xf32>, vector<128x128xf32>, vector<32x128xf32> -> vector<32x128xf32>
    %reduce_sum3A_32 = arith.constant dense<0.000000e+00> : vector<32xf32>
    %reduce_sum3A_33 = vector.multi_reduction <add>, %convert_element_type3A_29, %reduce_sum3A_32 [1] : vector<32x128xf32> to vector<32xf32>
    %broadcast_in_dim3A_34 = vector.shape_cast %reduce_sum3A_33 : vector<32xf32> to vector<32x1xf32>
    %dot_general3A_35 = arith.constant dense<0.000000e+00> : vector<32x1xf32>
    %dot_general3A_36 = tpu.matmul %convert_element_type3A_7, %broadcast_in_dim3A_34, %dot_general3A_35 {dimension_numbers = #tpu.dot_dimension_numbers<[1], [0], [0], [1], [0, 0, 1, 1], [], []>, transpose_lhs_hint = false} : vector<32x32xf32>, vector<32x1xf32>, vector<32x1xf32> -> vector<32x1xf32>
    %sub3A_37 = arith.constant 1.000000e+00 : f32
    %sub3A_38 = vector.broadcast %sub3A_37 : f32 to vector<32x128xf32>
    %sub3A_39 = arith.subf %dot_general3A_31, %sub3A_38 : vector<32x128xf32>
    %add3A_40 = vector.broadcast %dot_general3A_36 : vector<32x1xf32> to vector<32x128xf32>
    %add3A_41 = arith.addf %sub3A_39, %add3A_40 : vector<32x128xf32>
    %reduce_sum3A_42 = vector.shape_cast %convert_element_type3A_29 : vector<32x128xf32> to vector<1x32x128xf32>
    %reduce_sum3A_43 = arith.constant dense<0.000000e+00> : vector<1xf32>
    %reduce_sum3A_44 = vector.multi_reduction <add>, %reduce_sum3A_42, %reduce_sum3A_43 [1, 2] : vector<1x32x128xf32> to vector<1xf32>
    %reduce_sum3A_45 = vector.shape_cast %reduce_sum3A_44 : vector<1xf32> to vector<1x1x1xf32>
    %reduce_sum3A_46 = vector.extract %reduce_sum3A_45[0, 0, 0] : f32 from vector<1x1x1xf32>
    %convert_element_type3A_47 = arith.fptosi %reduce_sum3A_46 : f32 to i32
    %eq3A_48 = arith.constant 2 : i32
    %eq3A_49 = vector.broadcast %eq3A_48 : i32 to vector<32x128xi32>
    %eq3A_50 = arith.cmpi eq, %get3A_1, %eq3A_49 : vector<32x128xi32>
    %convert_element_type3A_51 = arith.extui %eq3A_50 : vector<32x128xi1> to vector<32x128xi32>
    %convert_element_type3A_52 = arith.sitofp %convert_element_type3A_51 : vector<32x128xi32> to vector<32x128xf32>
    %dot_general3A_53 = arith.constant dense<0.000000e+00> : vector<32x128xf32>
    %dot_general3A_54 = tpu.matmul %convert_element_type3A_52, %convert_element_type3A_3, %dot_general3A_53 {dimension_numbers = #tpu.dot_dimension_numbers<[1], [0], [0], [1], [0, 0, 1, 1], [], []>, transpose_lhs_hint = false} : vector<32x128xf32>, vector<128x128xf32>, vector<32x128xf32> -> vector<32x128xf32>
    %reduce_sum3A_55 = arith.constant dense<0.000000e+00> : vector<32xf32>
    %reduce_sum3A_56 = vector.multi_reduction <add>, %convert_element_type3A_52, %reduce_sum3A_55 [1] : vector<32x128xf32> to vector<32xf32>
    %broadcast_in_dim3A_57 = vector.shape_cast %reduce_sum3A_56 : vector<32xf32> to vector<32x1xf32>
    %dot_general3A_58 = arith.constant dense<0.000000e+00> : vector<32x1xf32>
    %dot_general3A_59 = tpu.matmul %convert_element_type3A_7, %broadcast_in_dim3A_57, %dot_general3A_58 {dimension_numbers = #tpu.dot_dimension_numbers<[1], [0], [0], [1], [0, 0, 1, 1], [], []>, transpose_lhs_hint = false} : vector<32x32xf32>, vector<32x1xf32>, vector<32x1xf32> -> vector<32x1xf32>
    %sub3A_60 = arith.constant 1.000000e+00 : f32
    %sub3A_61 = vector.broadcast %sub3A_60 : f32 to vector<32x128xf32>
    %sub3A_62 = arith.subf %dot_general3A_54, %sub3A_61 : vector<32x128xf32>
    %add3A_63 = vector.broadcast %dot_general3A_59 : vector<32x1xf32> to vector<32x128xf32>
    %add3A_64 = arith.addf %sub3A_62, %add3A_63 : vector<32x128xf32>
    %reduce_sum3A_65 = vector.shape_cast %convert_element_type3A_52 : vector<32x128xf32> to vector<1x32x128xf32>
    %reduce_sum3A_66 = arith.constant dense<0.000000e+00> : vector<1xf32>
    %reduce_sum3A_67 = vector.multi_reduction <add>, %reduce_sum3A_65, %reduce_sum3A_66 [1, 2] : vector<1x32x128xf32> to vector<1xf32>
    %reduce_sum3A_68 = vector.shape_cast %reduce_sum3A_67 : vector<1xf32> to vector<1x1x1xf32>
    %reduce_sum3A_69 = vector.extract %reduce_sum3A_68[0, 0, 0] : f32 from vector<1x1x1xf32>
    %convert_element_type3A_70 = arith.fptosi %reduce_sum3A_69 : f32 to i32
    %eq3A_71 = arith.constant 3 : i32
    %eq3A_72 = vector.broadcast %eq3A_71 : i32 to vector<32x128xi32>
    %eq3A_73 = arith.cmpi eq, %get3A_1, %eq3A_72 : vector<32x128xi32>
    %convert_element_type3A_74 = arith.extui %eq3A_73 : vector<32x128xi1> to vector<32x128xi32>
    %convert_element_type3A_75 = arith.sitofp %convert_element_type3A_74 : vector<32x128xi32> to vector<32x128xf32>
    %dot_general3A_76 = arith.constant dense<0.000000e+00> : vector<32x128xf32>
    %dot_general3A_77 = tpu.matmul %convert_element_type3A_75, %convert_element_type3A_3, %dot_general3A_76 {dimension_numbers = #tpu.dot_dimension_numbers<[1], [0], [0], [1], [0, 0, 1, 1], [], []>, transpose_lhs_hint = false} : vector<32x128xf32>, vector<128x128xf32>, vector<32x128xf32> -> vector<32x128xf32>
    %reduce_sum3A_78 = arith.constant dense<0.000000e+00> : vector<32xf32>
    %reduce_sum3A_79 = vector.multi_reduction <add>, %convert_element_type3A_75, %reduce_sum3A_78 [1] : vector<32x128xf32> to vector<32xf32>
    %broadcast_in_dim3A_80 = vector.shape_cast %reduce_sum3A_79 : vector<32xf32> to vector<32x1xf32>
    %dot_general3A_81 = arith.constant dense<0.000000e+00> : vector<32x1xf32>
    %dot_general3A_82 = tpu.matmul %convert_element_type3A_7, %broadcast_in_dim3A_80, %dot_general3A_81 {dimension_numbers = #tpu.dot_dimension_numbers<[1], [0], [0], [1], [0, 0, 1, 1], [], []>, transpose_lhs_hint = false} : vector<32x32xf32>, vector<32x1xf32>, vector<32x1xf32> -> vector<32x1xf32>
    %sub3A_83 = arith.constant 1.000000e+00 : f32
    %sub3A_84 = vector.broadcast %sub3A_83 : f32 to vector<32x128xf32>
    %sub3A_85 = arith.subf %dot_general3A_77, %sub3A_84 : vector<32x128xf32>
    %add3A_86 = vector.broadcast %dot_general3A_82 : vector<32x1xf32> to vector<32x128xf32>
    %add3A_87 = arith.addf %sub3A_85, %add3A_86 : vector<32x128xf32>
    %reduce_sum3A_88 = vector.shape_cast %convert_element_type3A_75 : vector<32x128xf32> to vector<1x32x128xf32>
    %reduce_sum3A_89 = arith.constant dense<0.000000e+00> : vector<1xf32>
    %reduce_sum3A_90 = vector.multi_reduction <add>, %reduce_sum3A_88, %reduce_sum3A_89 [1, 2] : vector<1x32x128xf32> to vector<1xf32>
    %reduce_sum3A_91 = vector.shape_cast %reduce_sum3A_90 : vector<1xf32> to vector<1x1x1xf32>
    %reduce_sum3A_92 = vector.extract %reduce_sum3A_91[0, 0, 0] : f32 from vector<1x1x1xf32>
    %convert_element_type3A_93 = arith.fptosi %reduce_sum3A_92 : f32 to i32
    %eq3A_94 = arith.constant 4 : i32
    %eq3A_95 = vector.broadcast %eq3A_94 : i32 to vector<32x128xi32>
    %eq3A_96 = arith.cmpi eq, %get3A_1, %eq3A_95 : vector<32x128xi32>
    %convert_element_type3A_97 = arith.extui %eq3A_96 : vector<32x128xi1> to vector<32x128xi32>
    %convert_element_type3A_98 = arith.sitofp %convert_element_type3A_97 : vector<32x128xi32> to vector<32x128xf32>
    %dot_general3A_99 = arith.constant dense<0.000000e+00> : vector<32x128xf32>
    %dot_general3A_100 = tpu.matmul %convert_element_type3A_98, %convert_element_type3A_3, %dot_general3A_99 {dimension_numbers = #tpu.dot_dimension_numbers<[1], [0], [0], [1], [0, 0, 1, 1], [], []>, transpose_lhs_hint = false} : vector<32x128xf32>, vector<128x128xf32>, vector<32x128xf32> -> vector<32x128xf32>
    %reduce_sum3A_101 = arith.constant dense<0.000000e+00> : vector<32xf32>
    %reduce_sum3A_102 = vector.multi_reduction <add>, %convert_element_type3A_98, %reduce_sum3A_101 [1] : vector<32x128xf32> to vector<32xf32>
    %broadcast_in_dim3A_103 = vector.shape_cast %reduce_sum3A_102 : vector<32xf32> to vector<32x1xf32>
    %dot_general3A_104 = arith.constant dense<0.000000e+00> : vector<32x1xf32>
    %dot_general3A_105 = tpu.matmul %convert_element_type3A_7, %broadcast_in_dim3A_103, %dot_general3A_104 {dimension_numbers = #tpu.dot_dimension_numbers<[1], [0], [0], [1], [0, 0, 1, 1], [], []>, transpose_lhs_hint = false} : vector<32x32xf32>, vector<32x1xf32>, vector<32x1xf32> -> vector<32x1xf32>
    %sub3A_106 = arith.constant 1.000000e+00 : f32
    %sub3A_107 = vector.broadcast %sub3A_106 : f32 to vector<32x128xf32>
    %sub3A_108 = arith.subf %dot_general3A_100, %sub3A_107 : vector<32x128xf32>
    %add3A_109 = vector.broadcast %dot_general3A_105 : vector<32x1xf32> to vector<32x128xf32>
    %add3A_110 = arith.addf %sub3A_108, %add3A_109 : vector<32x128xf32>
    %reduce_sum3A_111 = vector.shape_cast %convert_element_type3A_98 : vector<32x128xf32> to vector<1x32x128xf32>
    %reduce_sum3A_112 = arith.constant dense<0.000000e+00> : vector<1xf32>
    %reduce_sum3A_113 = vector.multi_reduction <add>, %reduce_sum3A_111, %reduce_sum3A_112 [1, 2] : vector<1x32x128xf32> to vector<1xf32>
    %reduce_sum3A_114 = vector.shape_cast %reduce_sum3A_113 : vector<1xf32> to vector<1x1x1xf32>
    %reduce_sum3A_115 = vector.extract %reduce_sum3A_114[0, 0, 0] : f32 from vector<1x1x1xf32>
    %convert_element_type3A_116 = arith.fptosi %reduce_sum3A_115 : f32 to i32
    %eq3A_117 = arith.constant 5 : i32
    %eq3A_118 = vector.broadcast %eq3A_117 : i32 to vector<32x128xi32>
    %eq3A_119 = arith.cmpi eq, %get3A_1, %eq3A_118 : vector<32x128xi32>
    %convert_element_type3A_120 = arith.extui %eq3A_119 : vector<32x128xi1> to vector<32x128xi32>
    %convert_element_type3A_121 = arith.sitofp %convert_element_type3A_120 : vector<32x128xi32> to vector<32x128xf32>
    %dot_general3A_122 = arith.constant dense<0.000000e+00> : vector<32x128xf32>
    %dot_general3A_123 = tpu.matmul %convert_element_type3A_121, %convert_element_type3A_3, %dot_general3A_122 {dimension_numbers = #tpu.dot_dimension_numbers<[1], [0], [0], [1], [0, 0, 1, 1], [], []>, transpose_lhs_hint = false} : vector<32x128xf32>, vector<128x128xf32>, vector<32x128xf32> -> vector<32x128xf32>
    %reduce_sum3A_124 = arith.constant dense<0.000000e+00> : vector<32xf32>
    %reduce_sum3A_125 = vector.multi_reduction <add>, %convert_element_type3A_121, %reduce_sum3A_124 [1] : vector<32x128xf32> to vector<32xf32>
    %broadcast_in_dim3A_126 = vector.shape_cast %reduce_sum3A_125 : vector<32xf32> to vector<32x1xf32>
    %dot_general3A_127 = arith.constant dense<0.000000e+00> : vector<32x1xf32>
    %dot_general3A_128 = tpu.matmul %convert_element_type3A_7, %broadcast_in_dim3A_126, %dot_general3A_127 {dimension_numbers = #tpu.dot_dimension_numbers<[1], [0], [0], [1], [0, 0, 1, 1], [], []>, transpose_lhs_hint = false} : vector<32x32xf32>, vector<32x1xf32>, vector<32x1xf32> -> vector<32x1xf32>
    %sub3A_129 = arith.constant 1.000000e+00 : f32
    %sub3A_130 = vector.broadcast %sub3A_129 : f32 to vector<32x128xf32>
    %sub3A_131 = arith.subf %dot_general3A_123, %sub3A_130 : vector<32x128xf32>
    %add3A_132 = vector.broadcast %dot_general3A_128 : vector<32x1xf32> to vector<32x128xf32>
    %add3A_133 = arith.addf %sub3A_131, %add3A_132 : vector<32x128xf32>
    %reduce_sum3A_134 = vector.shape_cast %convert_element_type3A_121 : vector<32x128xf32> to vector<1x32x128xf32>
    %reduce_sum3A_135 = arith.constant dense<0.000000e+00> : vector<1xf32>
    %reduce_sum3A_136 = vector.multi_reduction <add>, %reduce_sum3A_134, %reduce_sum3A_135 [1, 2] : vector<1x32x128xf32> to vector<1xf32>
    %reduce_sum3A_137 = vector.shape_cast %reduce_sum3A_136 : vector<1xf32> to vector<1x1x1xf32>
    %reduce_sum3A_138 = vector.extract %reduce_sum3A_137[0, 0, 0] : f32 from vector<1x1x1xf32>
    %convert_element_type3A_139 = arith.fptosi %reduce_sum3A_138 : f32 to i32
    %eq3A_140 = arith.constant 6 : i32
    %eq3A_141 = vector.broadcast %eq3A_140 : i32 to vector<32x128xi32>
    %eq3A_142 = arith.cmpi eq, %get3A_1, %eq3A_141 : vector<32x128xi32>
    %convert_element_type3A_143 = arith.extui %eq3A_142 : vector<32x128xi1> to vector<32x128xi32>
    %convert_element_type3A_144 = arith.sitofp %convert_element_type3A_143 : vector<32x128xi32> to vector<32x128xf32>
    %dot_general3A_145 = arith.constant dense<0.000000e+00> : vector<32x128xf32>
    %dot_general3A_146 = tpu.matmul %convert_element_type3A_144, %convert_element_type3A_3, %dot_general3A_145 {dimension_numbers = #tpu.dot_dimension_numbers<[1], [0], [0], [1], [0, 0, 1, 1], [], []>, transpose_lhs_hint = false} : vector<32x128xf32>, vector<128x128xf32>, vector<32x128xf32> -> vector<32x128xf32>
    %reduce_sum3A_147 = arith.constant dense<0.000000e+00> : vector<32xf32>
    %reduce_sum3A_148 = vector.multi_reduction <add>, %convert_element_type3A_144, %reduce_sum3A_147 [1] : vector<32x128xf32> to vector<32xf32>
    %broadcast_in_dim3A_149 = vector.shape_cast %reduce_sum3A_148 : vector<32xf32> to vector<32x1xf32>
    %dot_general3A_150 = arith.constant dense<0.000000e+00> : vector<32x1xf32>
    %dot_general3A_151 = tpu.matmul %convert_element_type3A_7, %broadcast_in_dim3A_149, %dot_general3A_150 {dimension_numbers = #tpu.dot_dimension_numbers<[1], [0], [0], [1], [0, 0, 1, 1], [], []>, transpose_lhs_hint = false} : vector<32x32xf32>, vector<32x1xf32>, vector<32x1xf32> -> vector<32x1xf32>
    %sub3A_152 = arith.constant 1.000000e+00 : f32
    %sub3A_153 = vector.broadcast %sub3A_152 : f32 to vector<32x128xf32>
    %sub3A_154 = arith.subf %dot_general3A_146, %sub3A_153 : vector<32x128xf32>
    %add3A_155 = vector.broadcast %dot_general3A_151 : vector<32x1xf32> to vector<32x128xf32>
    %add3A_156 = arith.addf %sub3A_154, %add3A_155 : vector<32x128xf32>
    %reduce_sum3A_157 = vector.shape_cast %convert_element_type3A_144 : vector<32x128xf32> to vector<1x32x128xf32>
    %reduce_sum3A_158 = arith.constant dense<0.000000e+00> : vector<1xf32>
    %reduce_sum3A_159 = vector.multi_reduction <add>, %reduce_sum3A_157, %reduce_sum3A_158 [1, 2] : vector<1x32x128xf32> to vector<1xf32>
    %reduce_sum3A_160 = vector.shape_cast %reduce_sum3A_159 : vector<1xf32> to vector<1x1x1xf32>
    %reduce_sum3A_161 = vector.extract %reduce_sum3A_160[0, 0, 0] : f32 from vector<1x1x1xf32>
    %convert_element_type3A_162 = arith.fptosi %reduce_sum3A_161 : f32 to i32
    %eq3A_163 = arith.constant 7 : i32
    %eq3A_164 = vector.broadcast %eq3A_163 : i32 to vector<32x128xi32>
    %eq3A_165 = arith.cmpi eq, %get3A_1, %eq3A_164 : vector<32x128xi32>
    %convert_element_type3A_166 = arith.extui %eq3A_165 : vector<32x128xi1> to vector<32x128xi32>
    %convert_element_type3A_167 = arith.sitofp %convert_element_type3A_166 : vector<32x128xi32> to vector<32x128xf32>
    %dot_general3A_168 = arith.constant dense<0.000000e+00> : vector<32x128xf32>
    %dot_general3A_169 = tpu.matmul %convert_element_type3A_167, %convert_element_type3A_3, %dot_general3A_168 {dimension_numbers = #tpu.dot_dimension_numbers<[1], [0], [0], [1], [0, 0, 1, 1], [], []>, transpose_lhs_hint = false} : vector<32x128xf32>, vector<128x128xf32>, vector<32x128xf32> -> vector<32x128xf32>
    %reduce_sum3A_170 = arith.constant dense<0.000000e+00> : vector<32xf32>
    %reduce_sum3A_171 = vector.multi_reduction <add>, %convert_element_type3A_167, %reduce_sum3A_170 [1] : vector<32x128xf32> to vector<32xf32>
    %broadcast_in_dim3A_172 = vector.shape_cast %reduce_sum3A_171 : vector<32xf32> to vector<32x1xf32>
    %dot_general3A_173 = arith.constant dense<0.000000e+00> : vector<32x1xf32>
    %dot_general3A_174 = tpu.matmul %convert_element_type3A_7, %broadcast_in_dim3A_172, %dot_general3A_173 {dimension_numbers = #tpu.dot_dimension_numbers<[1], [0], [0], [1], [0, 0, 1, 1], [], []>, transpose_lhs_hint = false} : vector<32x32xf32>, vector<32x1xf32>, vector<32x1xf32> -> vector<32x1xf32>
    %sub3A_175 = arith.constant 1.000000e+00 : f32
    %sub3A_176 = vector.broadcast %sub3A_175 : f32 to vector<32x128xf32>
    %sub3A_177 = arith.subf %dot_general3A_169, %sub3A_176 : vector<32x128xf32>
    %add3A_178 = vector.broadcast %dot_general3A_174 : vector<32x1xf32> to vector<32x128xf32>
    %add3A_179 = arith.addf %sub3A_177, %add3A_178 : vector<32x128xf32>
    %reduce_sum3A_180 = vector.shape_cast %convert_element_type3A_167 : vector<32x128xf32> to vector<1x32x128xf32>
    %reduce_sum3A_181 = arith.constant dense<0.000000e+00> : vector<1xf32>
    %reduce_sum3A_182 = vector.multi_reduction <add>, %reduce_sum3A_180, %reduce_sum3A_181 [1, 2] : vector<1x32x128xf32> to vector<1xf32>
    %reduce_sum3A_183 = vector.shape_cast %reduce_sum3A_182 : vector<1xf32> to vector<1x1x1xf32>
    %reduce_sum3A_184 = vector.extract %reduce_sum3A_183[0, 0, 0] : f32 from vector<1x1x1xf32>
    %convert_element_type3A_185 = arith.fptosi %reduce_sum3A_184 : f32 to i32
    %add3A_186 = arith.constant 127 : i32
    %add3A_187 = arith.addi %convert_element_type3A_24, %add3A_186 : i32
    %jit3A = arith.constant 128 : i32
    %div3A = arith.divsi %add3A_187, %jit3A : i32
    %sign3A = arith.constant 0 : i32
    %sign3A_188 = arith.cmpi sgt, %add3A_187, %sign3A : i32
    %sign3A_189 = arith.extui %sign3A_188 : i1 to i32
    %sign3A_190 = arith.constant 0 : i32
    %sign3A_191 = arith.cmpi slt, %add3A_187, %sign3A_190 : i32
    %sign3A_192 = arith.extui %sign3A_191 : i1 to i32
    %sign3A_193 = arith.subi %sign3A_189, %sign3A_192 : i32
    %sign3A_194 = arith.constant 0 : i32
    %sign3A_195 = arith.cmpi sgt, %jit3A, %sign3A_194 : i32
    %sign3A_196 = arith.extui %sign3A_195 : i1 to i32
    %sign3A_197 = arith.constant 0 : i32
    %sign3A_198 = arith.cmpi slt, %jit3A, %sign3A_197 : i32
    %sign3A_199 = arith.extui %sign3A_198 : i1 to i32
    %sign3A_200 = arith.subi %sign3A_196, %sign3A_199 : i32
    %ne3A = arith.cmpi ne, %sign3A_193, %sign3A_200 : i32
    %rem3A = arith.remsi %add3A_187, %jit3A : i32
    %ne3A_201 = arith.constant 0 : i32
    %ne3A_202 = arith.cmpi ne, %rem3A, %ne3A_201 : i32
    %and3A = arith.andi %ne3A, %ne3A_202 : i1
    %sub3A_203 = arith.constant 1 : i32
    %sub3A_204 = arith.subi %div3A, %sub3A_203 : i32
    %select_n3A = arith.select %and3A, %sub3A_204, %div3A : i32
    %mul3A = arith.constant 128 : i32
    %mul3A_205 = arith.muli %select_n3A, %mul3A : i32
    %add3A_206 = arith.constant 0 : i32
    %add3A_207 = arith.addi %add3A_206, %mul3A_205 : i32
    %add3A_208 = arith.constant 0 : i32
    %add3A_209 = arith.addi %add3A_208, %select_n3A : i32
    %add3A_210 = arith.constant 127 : i32
    %add3A_211 = arith.addi %convert_element_type3A_47, %add3A_210 : i32
    %jit3A_212 = arith.constant 128 : i32
    %div3A_213 = arith.divsi %add3A_211, %jit3A_212 : i32
    %sign3A_214 = arith.constant 0 : i32
    %sign3A_215 = arith.cmpi sgt, %add3A_211, %sign3A_214 : i32
    %sign3A_216 = arith.extui %sign3A_215 : i1 to i32
    %sign3A_217 = arith.constant 0 : i32
    %sign3A_218 = arith.cmpi slt, %add3A_211, %sign3A_217 : i32
    %sign3A_219 = arith.extui %sign3A_218 : i1 to i32
    %sign3A_220 = arith.subi %sign3A_216, %sign3A_219 : i32
    %sign3A_221 = arith.constant 0 : i32
    %sign3A_222 = arith.cmpi sgt, %jit3A_212, %sign3A_221 : i32
    %sign3A_223 = arith.extui %sign3A_222 : i1 to i32
    %sign3A_224 = arith.constant 0 : i32
    %sign3A_225 = arith.cmpi slt, %jit3A_212, %sign3A_224 : i32
    %sign3A_226 = arith.extui %sign3A_225 : i1 to i32
    %sign3A_227 = arith.subi %sign3A_223, %sign3A_226 : i32
    %ne3A_228 = arith.cmpi ne, %sign3A_220, %sign3A_227 : i32
    %rem3A_229 = arith.remsi %add3A_211, %jit3A_212 : i32
    %ne3A_230 = arith.constant 0 : i32
    %ne3A_231 = arith.cmpi ne, %rem3A_229, %ne3A_230 : i32
    %and3A_232 = arith.andi %ne3A_228, %ne3A_231 : i1
    %sub3A_233 = arith.constant 1 : i32
    %sub3A_234 = arith.subi %div3A_213, %sub3A_233 : i32
    %select_n3A_235 = arith.select %and3A_232, %sub3A_234, %div3A_213 : i32
    %mul3A_236 = arith.constant 128 : i32
    %mul3A_237 = arith.muli %select_n3A_235, %mul3A_236 : i32
    %add3A_238 = arith.addi %add3A_207, %mul3A_237 : i32
    %add3A_239 = arith.addi %add3A_209, %select_n3A_235 : i32
    %add3A_240 = arith.constant 127 : i32
    %add3A_241 = arith.addi %convert_element_type3A_70, %add3A_240 : i32
    %jit3A_242 = arith.constant 128 : i32
    %div3A_243 = arith.divsi %add3A_241, %jit3A_242 : i32
    %sign3A_244 = arith.constant 0 : i32
    %sign3A_245 = arith.cmpi sgt, %add3A_241, %sign3A_244 : i32
    %sign3A_246 = arith.extui %sign3A_245 : i1 to i32
    %sign3A_247 = arith.constant 0 : i32
    %sign3A_248 = arith.cmpi slt, %add3A_241, %sign3A_247 : i32
    %sign3A_249 = arith.extui %sign3A_248 : i1 to i32
    %sign3A_250 = arith.subi %sign3A_246, %sign3A_249 : i32
    %sign3A_251 = arith.constant 0 : i32
    %sign3A_252 = arith.cmpi sgt, %jit3A_242, %sign3A_251 : i32
    %sign3A_253 = arith.extui %sign3A_252 : i1 to i32
    %sign3A_254 = arith.constant 0 : i32
    %sign3A_255 = arith.cmpi slt, %jit3A_242, %sign3A_254 : i32
    %sign3A_256 = arith.extui %sign3A_255 : i1 to i32
    %sign3A_257 = arith.subi %sign3A_253, %sign3A_256 : i32
    %ne3A_258 = arith.cmpi ne, %sign3A_250, %sign3A_257 : i32
    %rem3A_259 = arith.remsi %add3A_241, %jit3A_242 : i32
    %ne3A_260 = arith.constant 0 : i32
    %ne3A_261 = arith.cmpi ne, %rem3A_259, %ne3A_260 : i32
    %and3A_262 = arith.andi %ne3A_258, %ne3A_261 : i1
    %sub3A_263 = arith.constant 1 : i32
    %sub3A_264 = arith.subi %div3A_243, %sub3A_263 : i32
    %select_n3A_265 = arith.select %and3A_262, %sub3A_264, %div3A_243 : i32
    %mul3A_266 = arith.constant 128 : i32
    %mul3A_267 = arith.muli %select_n3A_265, %mul3A_266 : i32
    %add3A_268 = arith.addi %add3A_238, %mul3A_267 : i32
    %add3A_269 = arith.addi %add3A_239, %select_n3A_265 : i32
    %add3A_270 = arith.constant 127 : i32
    %add3A_271 = arith.addi %convert_element_type3A_93, %add3A_270 : i32
    %jit3A_272 = arith.constant 128 : i32
    %div3A_273 = arith.divsi %add3A_271, %jit3A_272 : i32
    %sign3A_274 = arith.constant 0 : i32
    %sign3A_275 = arith.cmpi sgt, %add3A_271, %sign3A_274 : i32
    %sign3A_276 = arith.extui %sign3A_275 : i1 to i32
    %sign3A_277 = arith.constant 0 : i32
    %sign3A_278 = arith.cmpi slt, %add3A_271, %sign3A_277 : i32
    %sign3A_279 = arith.extui %sign3A_278 : i1 to i32
    %sign3A_280 = arith.subi %sign3A_276, %sign3A_279 : i32
    %sign3A_281 = arith.constant 0 : i32
    %sign3A_282 = arith.cmpi sgt, %jit3A_272, %sign3A_281 : i32
    %sign3A_283 = arith.extui %sign3A_282 : i1 to i32
    %sign3A_284 = arith.constant 0 : i32
    %sign3A_285 = arith.cmpi slt, %jit3A_272, %sign3A_284 : i32
    %sign3A_286 = arith.extui %sign3A_285 : i1 to i32
    %sign3A_287 = arith.subi %sign3A_283, %sign3A_286 : i32
    %ne3A_288 = arith.cmpi ne, %sign3A_280, %sign3A_287 : i32
    %rem3A_289 = arith.remsi %add3A_271, %jit3A_272 : i32
    %ne3A_290 = arith.constant 0 : i32
    %ne3A_291 = arith.cmpi ne, %rem3A_289, %ne3A_290 : i32
    %and3A_292 = arith.andi %ne3A_288, %ne3A_291 : i1
    %sub3A_293 = arith.constant 1 : i32
    %sub3A_294 = arith.subi %div3A_273, %sub3A_293 : i32
    %select_n3A_295 = arith.select %and3A_292, %sub3A_294, %div3A_273 : i32
    %mul3A_296 = arith.constant 128 : i32
    %mul3A_297 = arith.muli %select_n3A_295, %mul3A_296 : i32
    %add3A_298 = arith.addi %add3A_268, %mul3A_297 : i32
    %add3A_299 = arith.addi %add3A_269, %select_n3A_295 : i32
    %add3A_300 = arith.constant 127 : i32
    %add3A_301 = arith.addi %convert_element_type3A_116, %add3A_300 : i32
    %jit3A_302 = arith.constant 128 : i32
    %div3A_303 = arith.divsi %add3A_301, %jit3A_302 : i32
    %sign3A_304 = arith.constant 0 : i32
    %sign3A_305 = arith.cmpi sgt, %add3A_301, %sign3A_304 : i32
    %sign3A_306 = arith.extui %sign3A_305 : i1 to i32
    %sign3A_307 = arith.constant 0 : i32
    %sign3A_308 = arith.cmpi slt, %add3A_301, %sign3A_307 : i32
    %sign3A_309 = arith.extui %sign3A_308 : i1 to i32
    %sign3A_310 = arith.subi %sign3A_306, %sign3A_309 : i32
    %sign3A_311 = arith.constant 0 : i32
    %sign3A_312 = arith.cmpi sgt, %jit3A_302, %sign3A_311 : i32
    %sign3A_313 = arith.extui %sign3A_312 : i1 to i32
    %sign3A_314 = arith.constant 0 : i32
    %sign3A_315 = arith.cmpi slt, %jit3A_302, %sign3A_314 : i32
    %sign3A_316 = arith.extui %sign3A_315 : i1 to i32
    %sign3A_317 = arith.subi %sign3A_313, %sign3A_316 : i32
    %ne3A_318 = arith.cmpi ne, %sign3A_310, %sign3A_317 : i32
    %rem3A_319 = arith.remsi %add3A_301, %jit3A_302 : i32
    %ne3A_320 = arith.constant 0 : i32
    %ne3A_321 = arith.cmpi ne, %rem3A_319, %ne3A_320 : i32
    %and3A_322 = arith.andi %ne3A_318, %ne3A_321 : i1
    %sub3A_323 = arith.constant 1 : i32
    %sub3A_324 = arith.subi %div3A_303, %sub3A_323 : i32
    %select_n3A_325 = arith.select %and3A_322, %sub3A_324, %div3A_303 : i32
    %mul3A_326 = arith.constant 128 : i32
    %mul3A_327 = arith.muli %select_n3A_325, %mul3A_326 : i32
    %add3A_328 = arith.addi %add3A_298, %mul3A_327 : i32
    %add3A_329 = arith.addi %add3A_299, %select_n3A_325 : i32
    %add3A_330 = arith.constant 127 : i32
    %add3A_331 = arith.addi %convert_element_type3A_139, %add3A_330 : i32
    %jit3A_332 = arith.constant 128 : i32
    %div3A_333 = arith.divsi %add3A_331, %jit3A_332 : i32
    %sign3A_334 = arith.constant 0 : i32
    %sign3A_335 = arith.cmpi sgt, %add3A_331, %sign3A_334 : i32
    %sign3A_336 = arith.extui %sign3A_335 : i1 to i32
    %sign3A_337 = arith.constant 0 : i32
    %sign3A_338 = arith.cmpi slt, %add3A_331, %sign3A_337 : i32
    %sign3A_339 = arith.extui %sign3A_338 : i1 to i32
    %sign3A_340 = arith.subi %sign3A_336, %sign3A_339 : i32
    %sign3A_341 = arith.constant 0 : i32
    %sign3A_342 = arith.cmpi sgt, %jit3A_332, %sign3A_341 : i32
    %sign3A_343 = arith.extui %sign3A_342 : i1 to i32
    %sign3A_344 = arith.constant 0 : i32
    %sign3A_345 = arith.cmpi slt, %jit3A_332, %sign3A_344 : i32
    %sign3A_346 = arith.extui %sign3A_345 : i1 to i32
    %sign3A_347 = arith.subi %sign3A_343, %sign3A_346 : i32
    %ne3A_348 = arith.cmpi ne, %sign3A_340, %sign3A_347 : i32
    %rem3A_349 = arith.remsi %add3A_331, %jit3A_332 : i32
    %ne3A_350 = arith.constant 0 : i32
    %ne3A_351 = arith.cmpi ne, %rem3A_349, %ne3A_350 : i32
    %and3A_352 = arith.andi %ne3A_348, %ne3A_351 : i1
    %sub3A_353 = arith.constant 1 : i32
    %sub3A_354 = arith.subi %div3A_333, %sub3A_353 : i32
    %select_n3A_355 = arith.select %and3A_352, %sub3A_354, %div3A_333 : i32
    %mul3A_356 = arith.constant 128 : i32
    %mul3A_357 = arith.muli %select_n3A_355, %mul3A_356 : i32
    %add3A_358 = arith.addi %add3A_328, %mul3A_357 : i32
    %add3A_359 = arith.addi %add3A_329, %select_n3A_355 : i32
    %add3A_360 = arith.constant 127 : i32
    %add3A_361 = arith.addi %convert_element_type3A_162, %add3A_360 : i32
    %jit3A_362 = arith.constant 128 : i32
    %div3A_363 = arith.divsi %add3A_361, %jit3A_362 : i32
    %sign3A_364 = arith.constant 0 : i32
    %sign3A_365 = arith.cmpi sgt, %add3A_361, %sign3A_364 : i32
    %sign3A_366 = arith.extui %sign3A_365 : i1 to i32
    %sign3A_367 = arith.constant 0 : i32
    %sign3A_368 = arith.cmpi slt, %add3A_361, %sign3A_367 : i32
    %sign3A_369 = arith.extui %sign3A_368 : i1 to i32
    %sign3A_370 = arith.subi %sign3A_366, %sign3A_369 : i32
    %sign3A_371 = arith.constant 0 : i32
    %sign3A_372 = arith.cmpi sgt, %jit3A_362, %sign3A_371 : i32
    %sign3A_373 = arith.extui %sign3A_372 : i1 to i32
    %sign3A_374 = arith.constant 0 : i32
    %sign3A_375 = arith.cmpi slt, %jit3A_362, %sign3A_374 : i32
    %sign3A_376 = arith.extui %sign3A_375 : i1 to i32
    %sign3A_377 = arith.subi %sign3A_373, %sign3A_376 : i32
    %ne3A_378 = arith.cmpi ne, %sign3A_370, %sign3A_377 : i32
    %rem3A_379 = arith.remsi %add3A_361, %jit3A_362 : i32
    %ne3A_380 = arith.constant 0 : i32
    %ne3A_381 = arith.cmpi ne, %rem3A_379, %ne3A_380 : i32
    %and3A_382 = arith.andi %ne3A_378, %ne3A_381 : i1
    %sub3A_383 = arith.constant 1 : i32
    %sub3A_384 = arith.subi %div3A_363, %sub3A_383 : i32
    %select_n3A_385 = arith.select %and3A_382, %sub3A_384, %div3A_363 : i32
    %mul3A_386 = arith.constant 128 : i32
    %mul3A_387 = arith.muli %select_n3A_385, %mul3A_386 : i32
    %add3A_388 = arith.addi %add3A_358, %mul3A_387 : i32
    %add3A_389 = arith.addi %add3A_359, %select_n3A_385 : i32
    %add3A_390 = arith.constant 127 : i32
    %add3A_391 = arith.addi %convert_element_type3A_185, %add3A_390 : i32
    %jit3A_392 = arith.constant 128 : i32
    %div3A_393 = arith.divsi %add3A_391, %jit3A_392 : i32
    %sign3A_394 = arith.constant 0 : i32
    %sign3A_395 = arith.cmpi sgt, %add3A_391, %sign3A_394 : i32
    %sign3A_396 = arith.extui %sign3A_395 : i1 to i32
    %sign3A_397 = arith.constant 0 : i32
    %sign3A_398 = arith.cmpi slt, %add3A_391, %sign3A_397 : i32
    %sign3A_399 = arith.extui %sign3A_398 : i1 to i32
    %sign3A_400 = arith.subi %sign3A_396, %sign3A_399 : i32
    %sign3A_401 = arith.constant 0 : i32
    %sign3A_402 = arith.cmpi sgt, %jit3A_392, %sign3A_401 : i32
    %sign3A_403 = arith.extui %sign3A_402 : i1 to i32
    %sign3A_404 = arith.constant 0 : i32
    %sign3A_405 = arith.cmpi slt, %jit3A_392, %sign3A_404 : i32
    %sign3A_406 = arith.extui %sign3A_405 : i1 to i32
    %sign3A_407 = arith.subi %sign3A_403, %sign3A_406 : i32
    %ne3A_408 = arith.cmpi ne, %sign3A_400, %sign3A_407 : i32
    %rem3A_409 = arith.remsi %add3A_391, %jit3A_392 : i32
    %ne3A_410 = arith.constant 0 : i32
    %ne3A_411 = arith.cmpi ne, %rem3A_409, %ne3A_410 : i32
    %and3A_412 = arith.andi %ne3A_408, %ne3A_411 : i1
    %sub3A_413 = arith.constant 1 : i32
    %sub3A_414 = arith.subi %div3A_393, %sub3A_413 : i32
    %select_n3A_415 = arith.select %and3A_412, %sub3A_414, %div3A_393 : i32
    %add3A_416 = arith.addi %add3A_389, %select_n3A_415 : i32
    %broadcast_in_dim3A_417 = arith.constant 0.000000e+00 : f32
    %broadcast_in_dim3A_418 = vector.broadcast %broadcast_in_dim3A_417 : f32 to vector<32x128xf32>
    %eq3A_419 = arith.constant 0 : i32
    %eq3A_420 = vector.broadcast %eq3A_419 : i32 to vector<32x128xi32>
    %eq3A_421 = arith.cmpi eq, %get3A_1, %eq3A_420 : vector<32x128xi32>
    %convert_element_type3A_422 = arith.extui %eq3A_421 : vector<32x128xi1> to vector<32x128xi32>
    %convert_element_type3A_423 = arith.sitofp %convert_element_type3A_422 : vector<32x128xi32> to vector<32x128xf32>
    %add3A_424 = arith.constant 0.000000e+00 : f32
    %add3A_425 = vector.broadcast %add3A_424 : f32 to vector<32x128xf32>
    %add3A_426 = arith.addf %add3A_18, %add3A_425 : vector<32x128xf32>
    %mul3A_427 = arith.mulf %convert_element_type3A_423, %add3A_426 : vector<32x128xf32>
    %add3A_428 = arith.addf %broadcast_in_dim3A_418, %mul3A_427 : vector<32x128xf32>
    %eq3A_429 = arith.constant 1 : i32
    %eq3A_430 = vector.broadcast %eq3A_429 : i32 to vector<32x128xi32>
    %eq3A_431 = arith.cmpi eq, %get3A_1, %eq3A_430 : vector<32x128xi32>
    %convert_element_type3A_432 = arith.extui %eq3A_431 : vector<32x128xi1> to vector<32x128xi32>
    %convert_element_type3A_433 = arith.sitofp %convert_element_type3A_432 : vector<32x128xi32> to vector<32x128xf32>
    %convert_element_type3A_434 = arith.sitofp %add3A_207 : i32 to f32
    %add3A_435 = vector.broadcast %convert_element_type3A_434 : f32 to vector<32x128xf32>
    %add3A_436 = arith.addf %add3A_41, %add3A_435 : vector<32x128xf32>
    %mul3A_437 = arith.mulf %convert_element_type3A_433, %add3A_436 : vector<32x128xf32>
    %add3A_438 = arith.addf %add3A_428, %mul3A_437 : vector<32x128xf32>
    %eq3A_439 = arith.constant 2 : i32
    %eq3A_440 = vector.broadcast %eq3A_439 : i32 to vector<32x128xi32>
    %eq3A_441 = arith.cmpi eq, %get3A_1, %eq3A_440 : vector<32x128xi32>
    %convert_element_type3A_442 = arith.extui %eq3A_441 : vector<32x128xi1> to vector<32x128xi32>
    %convert_element_type3A_443 = arith.sitofp %convert_element_type3A_442 : vector<32x128xi32> to vector<32x128xf32>
    %convert_element_type3A_444 = arith.sitofp %add3A_238 : i32 to f32
    %add3A_445 = vector.broadcast %convert_element_type3A_444 : f32 to vector<32x128xf32>
    %add3A_446 = arith.addf %add3A_64, %add3A_445 : vector<32x128xf32>
    %mul3A_447 = arith.mulf %convert_element_type3A_443, %add3A_446 : vector<32x128xf32>
    %add3A_448 = arith.addf %add3A_438, %mul3A_447 : vector<32x128xf32>
    %eq3A_449 = arith.constant 3 : i32
    %eq3A_450 = vector.broadcast %eq3A_449 : i32 to vector<32x128xi32>
    %eq3A_451 = arith.cmpi eq, %get3A_1, %eq3A_450 : vector<32x128xi32>
    %convert_element_type3A_452 = arith.extui %eq3A_451 : vector<32x128xi1> to vector<32x128xi32>
    %convert_element_type3A_453 = arith.sitofp %convert_element_type3A_452 : vector<32x128xi32> to vector<32x128xf32>
    %convert_element_type3A_454 = arith.sitofp %add3A_268 : i32 to f32
    %add3A_455 = vector.broadcast %convert_element_type3A_454 : f32 to vector<32x128xf32>
    %add3A_456 = arith.addf %add3A_87, %add3A_455 : vector<32x128xf32>
    %mul3A_457 = arith.mulf %convert_element_type3A_453, %add3A_456 : vector<32x128xf32>
    %add3A_458 = arith.addf %add3A_448, %mul3A_457 : vector<32x128xf32>
    %eq3A_459 = arith.constant 4 : i32
    %eq3A_460 = vector.broadcast %eq3A_459 : i32 to vector<32x128xi32>
    %eq3A_461 = arith.cmpi eq, %get3A_1, %eq3A_460 : vector<32x128xi32>
    %convert_element_type3A_462 = arith.extui %eq3A_461 : vector<32x128xi1> to vector<32x128xi32>
    %convert_element_type3A_463 = arith.sitofp %convert_element_type3A_462 : vector<32x128xi32> to vector<32x128xf32>
    %convert_element_type3A_464 = arith.sitofp %add3A_298 : i32 to f32
    %add3A_465 = vector.broadcast %convert_element_type3A_464 : f32 to vector<32x128xf32>
    %add3A_466 = arith.addf %add3A_110, %add3A_465 : vector<32x128xf32>
    %mul3A_467 = arith.mulf %convert_element_type3A_463, %add3A_466 : vector<32x128xf32>
    %add3A_468 = arith.addf %add3A_458, %mul3A_467 : vector<32x128xf32>
    %eq3A_469 = arith.constant 5 : i32
    %eq3A_470 = vector.broadcast %eq3A_469 : i32 to vector<32x128xi32>
    %eq3A_471 = arith.cmpi eq, %get3A_1, %eq3A_470 : vector<32x128xi32>
    %convert_element_type3A_472 = arith.extui %eq3A_471 : vector<32x128xi1> to vector<32x128xi32>
    %convert_element_type3A_473 = arith.sitofp %convert_element_type3A_472 : vector<32x128xi32> to vector<32x128xf32>
    %convert_element_type3A_474 = arith.sitofp %add3A_328 : i32 to f32
    %add3A_475 = vector.broadcast %convert_element_type3A_474 : f32 to vector<32x128xf32>
    %add3A_476 = arith.addf %add3A_133, %add3A_475 : vector<32x128xf32>
    %mul3A_477 = arith.mulf %convert_element_type3A_473, %add3A_476 : vector<32x128xf32>
    %add3A_478 = arith.addf %add3A_468, %mul3A_477 : vector<32x128xf32>
    %eq3A_479 = arith.constant 6 : i32
    %eq3A_480 = vector.broadcast %eq3A_479 : i32 to vector<32x128xi32>
    %eq3A_481 = arith.cmpi eq, %get3A_1, %eq3A_480 : vector<32x128xi32>
    %convert_element_type3A_482 = arith.extui %eq3A_481 : vector<32x128xi1> to vector<32x128xi32>
    %convert_element_type3A_483 = arith.sitofp %convert_element_type3A_482 : vector<32x128xi32> to vector<32x128xf32>
    %convert_element_type3A_484 = arith.sitofp %add3A_358 : i32 to f32
    %add3A_485 = vector.broadcast %convert_element_type3A_484 : f32 to vector<32x128xf32>
    %add3A_486 = arith.addf %add3A_156, %add3A_485 : vector<32x128xf32>
    %mul3A_487 = arith.mulf %convert_element_type3A_483, %add3A_486 : vector<32x128xf32>
    %add3A_488 = arith.addf %add3A_478, %mul3A_487 : vector<32x128xf32>
    %eq3A_489 = arith.constant 7 : i32
    %eq3A_490 = vector.broadcast %eq3A_489 : i32 to vector<32x128xi32>
    %eq3A_491 = arith.cmpi eq, %get3A_1, %eq3A_490 : vector<32x128xi32>
    %convert_element_type3A_492 = arith.extui %eq3A_491 : vector<32x128xi1> to vector<32x128xi32>
    %convert_element_type3A_493 = arith.sitofp %convert_element_type3A_492 : vector<32x128xi32> to vector<32x128xf32>
    %convert_element_type3A_494 = arith.sitofp %add3A_388 : i32 to f32
    %add3A_495 = vector.broadcast %convert_element_type3A_494 : f32 to vector<32x128xf32>
    %add3A_496 = arith.addf %add3A_179, %add3A_495 : vector<32x128xf32>
    %mul3A_497 = arith.mulf %convert_element_type3A_493, %add3A_496 : vector<32x128xf32>
    %add3A_498 = arith.addf %add3A_488, %mul3A_497 : vector<32x128xf32>
    %convert_element_type3A_499 = arith.fptosi %add3A_498 : vector<32x128xf32> to vector<32x128xi32>
    %swap3A = arith.constant 0 : index
    %swap3A_500 = arith.constant 0 : index
    %swap3A_501 = vector.load %arg2[%swap3A, %swap3A_500] : memref<32x128xi32, #tpu.memory_space<vmem>>, vector<32x128xi32>
    tpu.vector_store %arg2[%swap3A, %swap3A_500], %convert_element_type3A_499 {strides = array<i32>} : memref<32x128xi32, #tpu.memory_space<vmem>>, vector<32x128xi32>,
    %iota3A_502 = tpu.iota {dimensions = array<i32: 1>} : vector<8x128xi32>
    %iota3A_503 = tpu.iota {dimensions = array<i32: 0>} : vector<8x128xi32>
    %broadcast_in_dim3A_504 = arith.constant 0 : i32
    %broadcast_in_dim3A_505 = vector.broadcast %broadcast_in_dim3A_504 : i32 to vector<8x128xi32>
    %ge3A = vector.broadcast %add3A_209 : i32 to vector<8x128xi32>
    %ge3A_506 = arith.cmpi sge, %iota3A_502, %ge3A : vector<8x128xi32>
    %convert_element_type3A_507 = arith.extui %ge3A_506 : vector<8x128xi1> to vector<8x128xi32>
    %add3A_508 = arith.addi %broadcast_in_dim3A_505, %convert_element_type3A_507 : vector<8x128xi32>
    %ge3A_509 = vector.broadcast %add3A_239 : i32 to vector<8x128xi32>
    %ge3A_510 = arith.cmpi sge, %iota3A_502, %ge3A_509 : vector<8x128xi32>
    %convert_element_type3A_511 = arith.extui %ge3A_510 : vector<8x128xi1> to vector<8x128xi32>
    %add3A_512 = arith.addi %add3A_508, %convert_element_type3A_511 : vector<8x128xi32>
    %ge3A_513 = vector.broadcast %add3A_269 : i32 to vector<8x128xi32>
    %ge3A_514 = arith.cmpi sge, %iota3A_502, %ge3A_513 : vector<8x128xi32>
    %convert_element_type3A_515 = arith.extui %ge3A_514 : vector<8x128xi1> to vector<8x128xi32>
    %add3A_516 = arith.addi %add3A_512, %convert_element_type3A_515 : vector<8x128xi32>
    %ge3A_517 = vector.broadcast %add3A_299 : i32 to vector<8x128xi32>
    %ge3A_518 = arith.cmpi sge, %iota3A_502, %ge3A_517 : vector<8x128xi32>
    %convert_element_type3A_519 = arith.extui %ge3A_518 : vector<8x128xi1> to vector<8x128xi32>
    %add3A_520 = arith.addi %add3A_516, %convert_element_type3A_519 : vector<8x128xi32>
    %ge3A_521 = vector.broadcast %add3A_329 : i32 to vector<8x128xi32>
    %ge3A_522 = arith.cmpi sge, %iota3A_502, %ge3A_521 : vector<8x128xi32>
    %convert_element_type3A_523 = arith.extui %ge3A_522 : vector<8x128xi1> to vector<8x128xi32>
    %add3A_524 = arith.addi %add3A_520, %convert_element_type3A_523 : vector<8x128xi32>
    %ge3A_525 = vector.broadcast %add3A_359 : i32 to vector<8x128xi32>
    %ge3A_526 = arith.cmpi sge, %iota3A_502, %ge3A_525 : vector<8x128xi32>
    %convert_element_type3A_527 = arith.extui %ge3A_526 : vector<8x128xi1> to vector<8x128xi32>
    %add3A_528 = arith.addi %add3A_524, %convert_element_type3A_527 : vector<8x128xi32>
    %ge3A_529 = vector.broadcast %add3A_389 : i32 to vector<8x128xi32>
    %ge3A_530 = arith.cmpi sge, %iota3A_502, %ge3A_529 : vector<8x128xi32>
    %convert_element_type3A_531 = arith.extui %ge3A_530 : vector<8x128xi1> to vector<8x128xi32>
    %add3A_532 = arith.addi %add3A_528, %convert_element_type3A_531 : vector<8x128xi32>
    %ge3A_533 = vector.broadcast %add3A_416 : i32 to vector<8x128xi32>
    %ge3A_534 = arith.cmpi sge, %iota3A_502, %ge3A_533 : vector<8x128xi32>
    %convert_element_type3A_535 = arith.extui %ge3A_534 : vector<8x128xi1> to vector<8x128xi32>
    %add3A_536 = arith.addi %add3A_532, %convert_element_type3A_535 : vector<8x128xi32>
    %min3A = arith.constant 7 : i32
    %min3A_537 = vector.broadcast %min3A : i32 to vector<8x128xi32>
    %min3A_538 = arith.minsi %add3A_536, %min3A_537 : vector<8x128xi32>
    %lt3A_539 = vector.broadcast %add3A_416 : i32 to vector<8x128xi32>
    %lt3A_540 = arith.cmpi slt, %iota3A_502, %lt3A_539 : vector<8x128xi32>
    %convert_element_type3A_541 = arith.extui %lt3A_540 : vector<8x128xi1> to vector<8x128xi32>
    %eq3A_542 = arith.constant 0 : i32
    %eq3A_543 = vector.broadcast %eq3A_542 : i32 to vector<8x128xi32>
    %eq3A_544 = arith.cmpi eq, %iota3A_503, %eq3A_543 : vector<8x128xi32>
    %eq3A_545 = arith.constant 1 : i32
    %eq3A_546 = vector.broadcast %eq3A_545 : i32 to vector<8x128xi32>
    %eq3A_547 = arith.cmpi eq, %iota3A_503, %eq3A_546 : vector<8x128xi32>
    %jit3A_548 = arith.constant 0 : i32
    %broadcast_in_dim3A_549 = vector.broadcast %jit3A_548 : i32 to vector<8x128xi32>
    %select_n3A_550 = arith.select %eq3A_547, %convert_element_type3A_541, %broadcast_in_dim3A_549 : vector<8x128xi1>, vector<8x128xi32>
    %select_n3A_551 = arith.select %eq3A_544, %min3A_538, %select_n3A_550 : vector<8x128xi1>, vector<8x128xi32>
    %swap3A_552 = arith.constant 0 : index
    %swap3A_553 = arith.constant 0 : index
    %swap3A_554 = vector.load %arg3[%swap3A_552, %swap3A_553] : memref<8x128xi32, #tpu.memory_space<vmem>>, vector<8x128xi32>
    tpu.vector_store %arg3[%swap3A_552, %swap3A_553], %select_n3A_551 {strides = array<i32>} : memref<8x128xi32, #tpu.memory_space<vmem>>, vector<8x128xi32>,
    return
  }
  func.func @transform_0(%arg0: i32) -> (i32, i32) {
    %c0_i32 = arith.constant 0 : i32
    %c0_i32_0 = arith.constant 0 : i32
    %c0_i32_1 = arith.constant 0 : i32
    return %c0_i32, %c0_i32_0 : i32, i32
  }
  func.func @transform_1(%arg0: i32) -> (i32, i32) {
    %c0_i32 = arith.constant 0 : i32
    %c0_i32_0 = arith.constant 0 : i32
    %c0_i32_1 = arith.constant 0 : i32
    return %c0_i32, %c0_i32_0 : i32, i32
  }
  func.func @transform_2(%arg0: i32) -> (i32, i32) {
    %c0_i32 = arith.constant 0 : i32
    %c0_i32_0 = arith.constant 0 : i32
    %c0_i32_1 = arith.constant 0 : i32
    return %c0_i32, %c0_i32_0 : i32, i32
  }
}

module attributes {stable_mosaic.version = 14 : i64} {
  func.func @_ff_group_kern(%arg0: i32, %arg1: memref<64xi32, #tpu.memory_space<smem>>, %arg2: memref<64xi32, #tpu.memory_space<smem>>, %arg3: memref<128x768xf32, #tpu.memory_space<vmem>>, %arg4: memref<1x768x1536xf32, #tpu.memory_space<vmem>>, %arg5: memref<1x1x1536xf32, #tpu.memory_space<vmem>>, %arg6: memref<1x1536x768xf32, #tpu.memory_space<vmem>>, %arg7: memref<1x1x768xf32, #tpu.memory_space<vmem>>, %arg8: memref<128x768xf32, #tpu.memory_space<vmem>>) attributes {dimension_semantics = [#tpu.dimension_semantics<arbitrary>], iteration_bounds = array<i64: 40>, scalar_prefetch = 2 : i64, scratch_operands = 0 : i64, tpu.core_type = #tpu.core_type<tc>, window_params = [{transform_indices = @transform_0, window_bounds = array<i64: 128, 768>}, {transform_indices = @transform_1, window_bounds = array<i64: 1, 768, 1536>}, {transform_indices = @transform_2, window_bounds = array<i64: 1, 1, 1536>}, {transform_indices = @transform_3, window_bounds = array<i64: 1, 1536, 768>}, {transform_indices = @transform_4, window_bounds = array<i64: 1, 1, 768>}, {transform_indices = @transform_5, window_bounds = array<i64: 128, 768>}]} {
    %get3A = arith.index_cast %arg0 : i32 to index
    %get3A_0 = memref.load %arg2[%get3A] : memref<64xi32, #tpu.memory_space<smem>>
    %eq3A = arith.constant 1 : i32
    %eq3A_1 = arith.cmpi eq, %get3A_0, %eq3A : i32
    %convert_element_type3A = arith.extui %eq3A_1 : i1 to i32
    %cond3A = arith.constant 0 : i32
    %cond3A_2 = arith.cmpi ne, %convert_element_type3A, %cond3A : i32
    scf.if %cond3A_2 {
      %get3A_3 = arith.constant 0 : index
      %get3A_4 = arith.constant 0 : index
      %get3A_5 = vector.load %arg3[%get3A_3, %get3A_4] : memref<128x768xf32, #tpu.memory_space<vmem>>, vector<128x768xf32>
      %get3A_6 = arith.constant 0 : index
      %get3A_7 = arith.constant 0 : index
      %get3A_8 = arith.constant 0 : index
      %get3A_9 = vector.load %arg4[%get3A_6, %get3A_7, %get3A_8] : memref<1x768x1536xf32, #tpu.memory_space<vmem>>, vector<1x768x1536xf32>
      %get3A_10 = vector.shape_cast %get3A_9 : vector<1x768x1536xf32> to vector<768x1536xf32>
      %convert_element_type3A_11 = arith.truncf %get3A_5 : vector<128x768xf32> to vector<128x768xbf16>
      %convert_element_type3A_12 = arith.truncf %get3A_10 : vector<768x1536xf32> to vector<768x1536xbf16>
      %dot_general3A = arith.constant dense<0.000000e+00> : vector<128x1536xf32>
      %dot_general3A_13 = tpu.matmul %convert_element_type3A_11, %convert_element_type3A_12, %dot_general3A {dimension_numbers = #tpu.dot_dimension_numbers<[1], [0], [0], [1], [0, 0, 1, 1], [], []>, transpose_lhs_hint = false} : vector<128x768xbf16>, vector<768x1536xbf16>, vector<128x1536xf32> -> vector<128x1536xf32>
      %get3A_14 = arith.constant 0 : index
      %get3A_15 = arith.constant 0 : index
      %get3A_16 = arith.constant 0 : index
      %get3A_17 = vector.load %arg5[%get3A_14, %get3A_15, %get3A_16] : memref<1x1x1536xf32, #tpu.memory_space<vmem>>, vector<1x1x1536xf32>
      %get3A_18 = vector.shape_cast %get3A_17 : vector<1x1x1536xf32> to vector<1x1536xf32>
      %add3A = vector.broadcast %get3A_18 : vector<1x1536xf32> to vector<128x1536xf32>
      %add3A_19 = arith.addf %dot_general3A_13, %add3A : vector<128x1536xf32>
      %mul3A = arith.constant 5.000000e-01 : f32
      %mul3A_20 = vector.broadcast %mul3A : f32 to vector<128x1536xf32>
      %mul3A_21 = arith.mulf %mul3A_20, %add3A_19 : vector<128x1536xf32>
      %mul3A_22 = arith.constant 0.707106769 : f32
      %mul3A_23 = vector.broadcast %mul3A_22 : f32 to vector<128x1536xf32>
      %mul3A_24 = arith.mulf %add3A_19, %mul3A_23 : vector<128x1536xf32>
      %erf3A = math.erf %mul3A_24 : vector<128x1536xf32>
      %add3A_25 = arith.constant 1.000000e+00 : f32
      %add3A_26 = vector.broadcast %add3A_25 : f32 to vector<128x1536xf32>
      %add3A_27 = arith.addf %add3A_26, %erf3A : vector<128x1536xf32>
      %mul3A_28 = arith.mulf %mul3A_21, %add3A_27 : vector<128x1536xf32>
      %get3A_29 = arith.constant 0 : index
      %get3A_30 = arith.constant 0 : index
      %get3A_31 = arith.constant 0 : index
      %get3A_32 = vector.load %arg6[%get3A_29, %get3A_30, %get3A_31] : memref<1x1536x768xf32, #tpu.memory_space<vmem>>, vector<1x1536x768xf32>
      %get3A_33 = vector.shape_cast %get3A_32 : vector<1x1536x768xf32> to vector<1536x768xf32>
      %convert_element_type3A_34 = arith.truncf %mul3A_28 : vector<128x1536xf32> to vector<128x1536xbf16>
      %convert_element_type3A_35 = arith.truncf %get3A_33 : vector<1536x768xf32> to vector<1536x768xbf16>
      %dot_general3A_36 = arith.constant dense<0.000000e+00> : vector<128x768xf32>
      %dot_general3A_37 = tpu.matmul %convert_element_type3A_34, %convert_element_type3A_35, %dot_general3A_36 {dimension_numbers = #tpu.dot_dimension_numbers<[1], [0], [0], [1], [0, 0, 1, 1], [], []>, transpose_lhs_hint = false} : vector<128x1536xbf16>, vector<1536x768xbf16>, vector<128x768xf32> -> vector<128x768xf32>
      %get3A_38 = arith.constant 0 : index
      %get3A_39 = arith.constant 0 : index
      %get3A_40 = arith.constant 0 : index
      %get3A_41 = vector.load %arg7[%get3A_38, %get3A_39, %get3A_40] : memref<1x1x768xf32, #tpu.memory_space<vmem>>, vector<1x1x768xf32>
      %get3A_42 = vector.shape_cast %get3A_41 : vector<1x1x768xf32> to vector<1x768xf32>
      %add3A_43 = vector.broadcast %get3A_42 : vector<1x768xf32> to vector<128x768xf32>
      %add3A_44 = arith.addf %dot_general3A_37, %add3A_43 : vector<128x768xf32>
      %swap3A = arith.constant 0 : index
      %swap3A_45 = arith.constant 0 : index
      %swap3A_46 = vector.load %arg8[%swap3A, %swap3A_45] : memref<128x768xf32, #tpu.memory_space<vmem>>, vector<128x768xf32>
      tpu.vector_store %arg8[%swap3A, %swap3A_45], %add3A_44 {strides = array<i32>} : memref<128x768xf32, #tpu.memory_space<vmem>>, vector<128x768xf32>,
    } else {
    }
    return
  }
  func.func @transform_0(%arg0: i32, %arg1: memref<64xi32, #tpu.memory_space<smem>>, %arg2: memref<64xi32, #tpu.memory_space<smem>>) -> (i32, i32) {
    %c0_i32 = arith.constant 0 : i32
    %c0_i32_0 = arith.constant 0 : i32
    return %arg0, %c0_i32 : i32, i32
  }
  func.func @transform_1(%arg0: i32, %arg1: memref<64xi32, #tpu.memory_space<smem>>, %arg2: memref<64xi32, #tpu.memory_space<smem>>) -> (i32, i32, i32) {
    %get3A = arith.index_cast %arg0 : i32 to index
    %get3A_0 = memref.load %arg1[%get3A] : memref<64xi32, #tpu.memory_space<smem>>
    %c0_i32 = arith.constant 0 : i32
    %c0_i32_1 = arith.constant 0 : i32
    %c0_i32_2 = arith.constant 0 : i32
    return %get3A_0, %c0_i32, %c0_i32_1 : i32, i32, i32
  }
  func.func @transform_2(%arg0: i32, %arg1: memref<64xi32, #tpu.memory_space<smem>>, %arg2: memref<64xi32, #tpu.memory_space<smem>>) -> (i32, i32, i32) {
    %get3A = arith.index_cast %arg0 : i32 to index
    %get3A_0 = memref.load %arg1[%get3A] : memref<64xi32, #tpu.memory_space<smem>>
    %c0_i32 = arith.constant 0 : i32
    %c0_i32_1 = arith.constant 0 : i32
    %c0_i32_2 = arith.constant 0 : i32
    return %get3A_0, %c0_i32, %c0_i32_1 : i32, i32, i32
  }
  func.func @transform_3(%arg0: i32, %arg1: memref<64xi32, #tpu.memory_space<smem>>, %arg2: memref<64xi32, #tpu.memory_space<smem>>) -> (i32, i32, i32) {
    %get3A = arith.index_cast %arg0 : i32 to index
    %get3A_0 = memref.load %arg1[%get3A] : memref<64xi32, #tpu.memory_space<smem>>
    %c0_i32 = arith.constant 0 : i32
    %c0_i32_1 = arith.constant 0 : i32
    %c0_i32_2 = arith.constant 0 : i32
    return %get3A_0, %c0_i32, %c0_i32_1 : i32, i32, i32
  }
  func.func @transform_4(%arg0: i32, %arg1: memref<64xi32, #tpu.memory_space<smem>>, %arg2: memref<64xi32, #tpu.memory_space<smem>>) -> (i32, i32, i32) {
    %get3A = arith.index_cast %arg0 : i32 to index
    %get3A_0 = memref.load %arg1[%get3A] : memref<64xi32, #tpu.memory_space<smem>>
    %c0_i32 = arith.constant 0 : i32
    %c0_i32_1 = arith.constant 0 : i32
    %c0_i32_2 = arith.constant 0 : i32
    return %get3A_0, %c0_i32, %c0_i32_1 : i32, i32, i32
  }
  func.func @transform_5(%arg0: i32, %arg1: memref<64xi32, #tpu.memory_space<smem>>, %arg2: memref<64xi32, #tpu.memory_space<smem>>) -> (i32, i32) {
    %c0_i32 = arith.constant 0 : i32
    %c0_i32_0 = arith.constant 0 : i32
    return %arg0, %c0_i32 : i32, i32
  }
}

module attributes {stable_mosaic.version = 14 : i64} {
  func.func @_ln_qkv_kern(%arg0: i32, %arg1: memref<256x768xf32, #tpu.memory_space<vmem>>, %arg2: memref<768x2304xf32, #tpu.memory_space<vmem>>, %arg3: memref<1x768xf32, #tpu.memory_space<vmem>>, %arg4: memref<1x768xf32, #tpu.memory_space<vmem>>, %arg5: memref<256x2304xf32, #tpu.memory_space<vmem>>) attributes {dimension_semantics = [#tpu.dimension_semantics<arbitrary>], iteration_bounds = array<i64: 8>, scalar_prefetch = 0 : i64, scratch_operands = 0 : i64, tpu.core_type = #tpu.core_type<tc>, window_params = [{transform_indices = @transform_0, window_bounds = array<i64: 256, 768>}, {pipeline_mode = #tpu.pipeline_mode<synchronous>, transform_indices = @transform_1, window_bounds = array<i64: 768, 2304>}, {pipeline_mode = #tpu.pipeline_mode<synchronous>, transform_indices = @transform_2, window_bounds = array<i64: 1, 768>}, {pipeline_mode = #tpu.pipeline_mode<synchronous>, transform_indices = @transform_3, window_bounds = array<i64: 1, 768>}, {transform_indices = @transform_4, window_bounds = array<i64: 256, 2304>}]} {
    %get3A = arith.constant 0 : index
    %get3A_0 = arith.constant 0 : index
    %get3A_1 = vector.load %arg1[%get3A, %get3A_0] : memref<256x768xf32, #tpu.memory_space<vmem>>, vector<256x768xf32>
    %reduce_sum3A = arith.constant dense<0.000000e+00> : vector<256xf32>
    %reduce_sum3A_2 = vector.multi_reduction <add>, %get3A_1, %reduce_sum3A [1] : vector<256x768xf32> to vector<256xf32>
    %broadcast_in_dim3A = vector.shape_cast %reduce_sum3A_2 : vector<256xf32> to vector<256x1xf32>
    %div3A = arith.constant 7.680000e+02 : f32
    %div3A_3 = vector.broadcast %div3A : f32 to vector<256x1xf32>
    %div3A_4 = arith.divf %broadcast_in_dim3A, %div3A_3 : vector<256x1xf32>
    %sub3A = vector.broadcast %div3A_4 : vector<256x1xf32> to vector<256x768xf32>
    %sub3A_5 = arith.subf %get3A_1, %sub3A : vector<256x768xf32>
    %integer_pow3A = arith.mulf %sub3A_5, %sub3A_5 : vector<256x768xf32>
    %reduce_sum3A_6 = arith.constant dense<0.000000e+00> : vector<256xf32>
    %reduce_sum3A_7 = vector.multi_reduction <add>, %integer_pow3A, %reduce_sum3A_6 [1] : vector<256x768xf32> to vector<256xf32>
    %broadcast_in_dim3A_8 = vector.shape_cast %reduce_sum3A_7 : vector<256xf32> to vector<256x1xf32>
    %div3A_9 = arith.constant 7.680000e+02 : f32
    %div3A_10 = vector.broadcast %div3A_9 : f32 to vector<256x1xf32>
    %div3A_11 = arith.divf %broadcast_in_dim3A_8, %div3A_10 : vector<256x1xf32>
    %sub3A_12 = vector.broadcast %div3A_4 : vector<256x1xf32> to vector<256x768xf32>
    %sub3A_13 = arith.subf %get3A_1, %sub3A_12 : vector<256x768xf32>
    %add3A = arith.constant 9.99999974E-6 : f32
    %add3A_14 = vector.broadcast %add3A : f32 to vector<256x1xf32>
    %add3A_15 = arith.addf %div3A_11, %add3A_14 : vector<256x1xf32>
    %sqrt3A = math.sqrt %add3A_15 : vector<256x1xf32>
    %div3A_16 = vector.broadcast %sqrt3A : vector<256x1xf32> to vector<256x768xf32>
    %div3A_17 = arith.divf %sub3A_13, %div3A_16 : vector<256x768xf32>
    %get3A_18 = arith.constant 0 : index
    %get3A_19 = arith.constant 0 : index
    %get3A_20 = vector.load %arg3[%get3A_18, %get3A_19] : memref<1x768xf32, #tpu.memory_space<vmem>>, vector<1x768xf32>
    %mul3A = vector.broadcast %get3A_20 : vector<1x768xf32> to vector<256x768xf32>
    %mul3A_21 = arith.mulf %div3A_17, %mul3A : vector<256x768xf32>
    %get3A_22 = arith.constant 0 : index
    %get3A_23 = arith.constant 0 : index
    %get3A_24 = vector.load %arg4[%get3A_22, %get3A_23] : memref<1x768xf32, #tpu.memory_space<vmem>>, vector<1x768xf32>
    %add3A_25 = vector.broadcast %get3A_24 : vector<1x768xf32> to vector<256x768xf32>
    %add3A_26 = arith.addf %mul3A_21, %add3A_25 : vector<256x768xf32>
    %get3A_27 = arith.constant 0 : index
    %get3A_28 = arith.constant 0 : index
    %get3A_29 = vector.load %arg2[%get3A_27, %get3A_28] : memref<768x2304xf32, #tpu.memory_space<vmem>>, vector<768x2304xf32>
    %convert_element_type3A = arith.truncf %add3A_26 : vector<256x768xf32> to vector<256x768xbf16>
    %convert_element_type3A_30 = arith.truncf %get3A_29 : vector<768x2304xf32> to vector<768x2304xbf16>
    %dot_general3A = arith.constant dense<0.000000e+00> : vector<256x2304xf32>
    %dot_general3A_31 = tpu.matmul %convert_element_type3A, %convert_element_type3A_30, %dot_general3A {dimension_numbers = #tpu.dot_dimension_numbers<[1], [0], [0], [1], [0, 0, 1, 1], [], []>, transpose_lhs_hint = false} : vector<256x768xbf16>, vector<768x2304xbf16>, vector<256x2304xf32> -> vector<256x2304xf32>
    %swap3A = arith.constant 0 : index
    %swap3A_32 = arith.constant 0 : index
    %swap3A_33 = vector.load %arg5[%swap3A, %swap3A_32] : memref<256x2304xf32, #tpu.memory_space<vmem>>, vector<256x2304xf32>
    tpu.vector_store %arg5[%swap3A, %swap3A_32], %dot_general3A_31 {strides = array<i32>} : memref<256x2304xf32, #tpu.memory_space<vmem>>, vector<256x2304xf32>,
    return
  }
  func.func @transform_0(%arg0: i32) -> (i32, i32) {
    %c0_i32 = arith.constant 0 : i32
    %c0_i32_0 = arith.constant 0 : i32
    return %arg0, %c0_i32 : i32, i32
  }
  func.func @transform_1(%arg0: i32) -> (i32, i32) {
    %c0_i32 = arith.constant 0 : i32
    %c0_i32_0 = arith.constant 0 : i32
    %c0_i32_1 = arith.constant 0 : i32
    return %c0_i32, %c0_i32_0 : i32, i32
  }
  func.func @transform_2(%arg0: i32) -> (i32, i32) {
    %c0_i32 = arith.constant 0 : i32
    %c0_i32_0 = arith.constant 0 : i32
    %c0_i32_1 = arith.constant 0 : i32
    return %c0_i32, %c0_i32_0 : i32, i32
  }
  func.func @transform_3(%arg0: i32) -> (i32, i32) {
    %c0_i32 = arith.constant 0 : i32
    %c0_i32_0 = arith.constant 0 : i32
    %c0_i32_1 = arith.constant 0 : i32
    return %c0_i32, %c0_i32_0 : i32, i32
  }
  func.func @transform_4(%arg0: i32) -> (i32, i32) {
    %c0_i32 = arith.constant 0 : i32
    %c0_i32_0 = arith.constant 0 : i32
    return %arg0, %c0_i32 : i32, i32
  }
}

module attributes {stable_mosaic.version = 14 : i64} {
  func.func @_attn_kern(%arg0: i32, %arg1: memref<1x1024x64xf32, #tpu.memory_space<vmem>>, %arg2: memref<1x1024x64xf32, #tpu.memory_space<vmem>>, %arg3: memref<1x1024x64xf32, #tpu.memory_space<vmem>>, %arg4: memref<1x1024x64xf32, #tpu.memory_space<vmem>>) attributes {dimension_semantics = [#tpu.dimension_semantics<arbitrary>], iteration_bounds = array<i64: 24>, scalar_prefetch = 0 : i64, scratch_operands = 0 : i64, tpu.core_type = #tpu.core_type<tc>, window_params = [{transform_indices = @transform_0, window_bounds = array<i64: 1, 1024, 64>}, {transform_indices = @transform_1, window_bounds = array<i64: 1, 1024, 64>}, {transform_indices = @transform_2, window_bounds = array<i64: 1, 1024, 64>}, {transform_indices = @transform_3, window_bounds = array<i64: 1, 1024, 64>}]} {
    %get3A = arith.constant 0 : index
    %get3A_0 = arith.constant 0 : index
    %get3A_1 = arith.constant 0 : index
    %get3A_2 = vector.load %arg1[%get3A, %get3A_0, %get3A_1] : memref<1x1024x64xf32, #tpu.memory_space<vmem>>, vector<1x1024x64xf32>
    %get3A_3 = vector.shape_cast %get3A_2 : vector<1x1024x64xf32> to vector<1024x64xf32>
    %get3A_4 = arith.constant 0 : index
    %get3A_5 = arith.constant 0 : index
    %get3A_6 = arith.constant 0 : index
    %get3A_7 = vector.load %arg2[%get3A_4, %get3A_5, %get3A_6] : memref<1x1024x64xf32, #tpu.memory_space<vmem>>, vector<1x1024x64xf32>
    %get3A_8 = vector.shape_cast %get3A_7 : vector<1x1024x64xf32> to vector<1024x64xf32>
    %get3A_9 = arith.constant 0 : index
    %get3A_10 = arith.constant 0 : index
    %get3A_11 = arith.constant 0 : index
    %get3A_12 = vector.load %arg3[%get3A_9, %get3A_10, %get3A_11] : memref<1x1024x64xf32, #tpu.memory_space<vmem>>, vector<1x1024x64xf32>
    %get3A_13 = vector.shape_cast %get3A_12 : vector<1x1024x64xf32> to vector<1024x64xf32>
    %convert_element_type3A = arith.truncf %get3A_3 : vector<1024x64xf32> to vector<1024x64xbf16>
    %convert_element_type3A_14 = arith.truncf %get3A_8 : vector<1024x64xf32> to vector<1024x64xbf16>
    %dot_general3A = arith.constant dense<0.000000e+00> : vector<1024x1024xf32>
    %dot_general3A_15 = tpu.matmul %convert_element_type3A, %convert_element_type3A_14, %dot_general3A {dimension_numbers = #tpu.dot_dimension_numbers<[1], [1], [0], [0], [0, 0, 1, 0], [], []>, transpose_lhs_hint = false} : vector<1024x64xbf16>, vector<1024x64xbf16>, vector<1024x1024xf32> -> vector<1024x1024xf32>
    %mul3A = arith.constant 1.250000e-01 : f32
    %mul3A_16 = vector.broadcast %mul3A : f32 to vector<1024x1024xf32>
    %mul3A_17 = arith.mulf %dot_general3A_15, %mul3A_16 : vector<1024x1024xf32>
    %reduce_max3A = arith.constant dense<0xFF800000> : vector<1024xf32>
    %reduce_max3A_18 = vector.multi_reduction <maximumf>, %mul3A_17, %reduce_max3A [1] : vector<1024x1024xf32> to vector<1024xf32>
    %broadcast_in_dim3A = vector.shape_cast %reduce_max3A_18 : vector<1024xf32> to vector<1024x1xf32>
    %sub3A = vector.broadcast %broadcast_in_dim3A : vector<1024x1xf32> to vector<1024x1024xf32>
    %sub3A_19 = arith.subf %mul3A_17, %sub3A : vector<1024x1024xf32>
    %exp3A = math.exp %sub3A_19 : vector<1024x1024xf32>
    %reduce_sum3A = arith.constant dense<0.000000e+00> : vector<1024xf32>
    %reduce_sum3A_20 = vector.multi_reduction <add>, %exp3A, %reduce_sum3A [1] : vector<1024x1024xf32> to vector<1024xf32>
    %broadcast_in_dim3A_21 = vector.shape_cast %reduce_sum3A_20 : vector<1024xf32> to vector<1024x1xf32>
    %div3A = vector.broadcast %broadcast_in_dim3A_21 : vector<1024x1xf32> to vector<1024x1024xf32>
    %div3A_22 = arith.divf %exp3A, %div3A : vector<1024x1024xf32>
    %convert_element_type3A_23 = arith.truncf %div3A_22 : vector<1024x1024xf32> to vector<1024x1024xbf16>
    %convert_element_type3A_24 = arith.truncf %get3A_13 : vector<1024x64xf32> to vector<1024x64xbf16>
    %dot_general3A_25 = arith.constant dense<0.000000e+00> : vector<1024x64xf32>
    %dot_general3A_26 = tpu.matmul %convert_element_type3A_23, %convert_element_type3A_24, %dot_general3A_25 {dimension_numbers = #tpu.dot_dimension_numbers<[1], [0], [0], [1], [0, 0, 1, 1], [], []>, transpose_lhs_hint = false} : vector<1024x1024xbf16>, vector<1024x64xbf16>, vector<1024x64xf32> -> vector<1024x64xf32>
    %swap3A = arith.constant 0 : index
    %swap3A_27 = arith.constant 0 : index
    %swap3A_28 = arith.constant 0 : index
    %swap3A_29 = vector.load %arg4[%swap3A, %swap3A_27, %swap3A_28] : memref<1x1024x64xf32, #tpu.memory_space<vmem>>, vector<1x1024x64xf32>
    %swap3A_30 = vector.shape_cast %swap3A_29 : vector<1x1024x64xf32> to vector<1024x64xf32>
    %swap3A_31 = vector.shape_cast %dot_general3A_26 : vector<1024x64xf32> to vector<1x1024x64xf32>
    tpu.vector_store %arg4[%swap3A, %swap3A_27, %swap3A_28], %swap3A_31 {strides = array<i32>} : memref<1x1024x64xf32, #tpu.memory_space<vmem>>, vector<1x1024x64xf32>,
    return
  }
  func.func @transform_0(%arg0: i32) -> (i32, i32, i32) {
    %c0_i32 = arith.constant 0 : i32
    %c0_i32_0 = arith.constant 0 : i32
    %c0_i32_1 = arith.constant 0 : i32
    return %arg0, %c0_i32, %c0_i32_0 : i32, i32, i32
  }
  func.func @transform_1(%arg0: i32) -> (i32, i32, i32) {
    %c0_i32 = arith.constant 0 : i32
    %c0_i32_0 = arith.constant 0 : i32
    %c0_i32_1 = arith.constant 0 : i32
    return %arg0, %c0_i32, %c0_i32_0 : i32, i32, i32
  }
  func.func @transform_2(%arg0: i32) -> (i32, i32, i32) {
    %c0_i32 = arith.constant 0 : i32
    %c0_i32_0 = arith.constant 0 : i32
    %c0_i32_1 = arith.constant 0 : i32
    return %arg0, %c0_i32, %c0_i32_0 : i32, i32, i32
  }
  func.func @transform_3(%arg0: i32) -> (i32, i32, i32) {
    %c0_i32 = arith.constant 0 : i32
    %c0_i32_0 = arith.constant 0 : i32
    %c0_i32_1 = arith.constant 0 : i32
    return %arg0, %c0_i32, %c0_i32_0 : i32, i32, i32
  }
}

module attributes {stable_mosaic.version = 14 : i64} {
  func.func @_proj_kern(%arg0: i32, %arg1: memref<256x768xf32, #tpu.memory_space<vmem>>, %arg2: memref<768x768xf32, #tpu.memory_space<vmem>>, %arg3: memref<1x768xf32, #tpu.memory_space<vmem>>, %arg4: memref<256x768xf32, #tpu.memory_space<vmem>>) attributes {dimension_semantics = [#tpu.dimension_semantics<arbitrary>], iteration_bounds = array<i64: 8>, scalar_prefetch = 0 : i64, scratch_operands = 0 : i64, tpu.core_type = #tpu.core_type<tc>, window_params = [{transform_indices = @transform_0, window_bounds = array<i64: 256, 768>}, {pipeline_mode = #tpu.pipeline_mode<synchronous>, transform_indices = @transform_1, window_bounds = array<i64: 768, 768>}, {pipeline_mode = #tpu.pipeline_mode<synchronous>, transform_indices = @transform_2, window_bounds = array<i64: 1, 768>}, {transform_indices = @transform_3, window_bounds = array<i64: 256, 768>}]} {
    %get3A = arith.constant 0 : index
    %get3A_0 = arith.constant 0 : index
    %get3A_1 = vector.load %arg1[%get3A, %get3A_0] : memref<256x768xf32, #tpu.memory_space<vmem>>, vector<256x768xf32>
    %get3A_2 = arith.constant 0 : index
    %get3A_3 = arith.constant 0 : index
    %get3A_4 = vector.load %arg2[%get3A_2, %get3A_3] : memref<768x768xf32, #tpu.memory_space<vmem>>, vector<768x768xf32>
    %convert_element_type3A = arith.truncf %get3A_1 : vector<256x768xf32> to vector<256x768xbf16>
    %convert_element_type3A_5 = arith.truncf %get3A_4 : vector<768x768xf32> to vector<768x768xbf16>
    %dot_general3A = arith.constant dense<0.000000e+00> : vector<256x768xf32>
    %dot_general3A_6 = tpu.matmul %convert_element_type3A, %convert_element_type3A_5, %dot_general3A {dimension_numbers = #tpu.dot_dimension_numbers<[1], [0], [0], [1], [0, 0, 1, 1], [], []>, transpose_lhs_hint = false} : vector<256x768xbf16>, vector<768x768xbf16>, vector<256x768xf32> -> vector<256x768xf32>
    %get3A_7 = arith.constant 0 : index
    %get3A_8 = arith.constant 0 : index
    %get3A_9 = vector.load %arg3[%get3A_7, %get3A_8] : memref<1x768xf32, #tpu.memory_space<vmem>>, vector<1x768xf32>
    %add3A = vector.broadcast %get3A_9 : vector<1x768xf32> to vector<256x768xf32>
    %add3A_10 = arith.addf %dot_general3A_6, %add3A : vector<256x768xf32>
    %add3A_11 = arith.addf %add3A_10, %add3A_10 : vector<256x768xf32>
    %swap3A = arith.constant 0 : index
    %swap3A_12 = arith.constant 0 : index
    %swap3A_13 = vector.load %arg4[%swap3A, %swap3A_12] : memref<256x768xf32, #tpu.memory_space<vmem>>, vector<256x768xf32>
    tpu.vector_store %arg4[%swap3A, %swap3A_12], %add3A_11 {strides = array<i32>} : memref<256x768xf32, #tpu.memory_space<vmem>>, vector<256x768xf32>,
    return
  }
  func.func @transform_0(%arg0: i32) -> (i32, i32) {
    %c0_i32 = arith.constant 0 : i32
    %c0_i32_0 = arith.constant 0 : i32
    return %arg0, %c0_i32 : i32, i32
  }
  func.func @transform_1(%arg0: i32) -> (i32, i32) {
    %c0_i32 = arith.constant 0 : i32
    %c0_i32_0 = arith.constant 0 : i32
    %c0_i32_1 = arith.constant 0 : i32
    return %c0_i32, %c0_i32_0 : i32, i32
  }
  func.func @transform_2(%arg0: i32) -> (i32, i32) {
    %c0_i32 = arith.constant 0 : i32
    %c0_i32_0 = arith.constant 0 : i32
    %c0_i32_1 = arith.constant 0 : i32
    return %c0_i32, %c0_i32_0 : i32, i32
  }
  func.func @transform_3(%arg0: i32) -> (i32, i32) {
    %c0_i32 = arith.constant 0 : i32
    %c0_i32_0 = arith.constant 0 : i32
    return %arg0, %c0_i32 : i32, i32
  }
}

module attributes {stable_mosaic.version = 14 : i64} {
  func.func @_combine_ln_kern(%arg0: i32, %arg1: memref<256x768xf32, #tpu.memory_space<vmem>>, %arg2: memref<256x768xf32, #tpu.memory_space<vmem>>, %arg3: memref<256x768xf32, #tpu.memory_space<vmem>>, %arg4: memref<256x128xf32, #tpu.memory_space<vmem>>, %arg5: memref<1x768xf32, #tpu.memory_space<vmem>>, %arg6: memref<1x768xf32, #tpu.memory_space<vmem>>, %arg7: memref<256x768xf32, #tpu.memory_space<vmem>>) attributes {dimension_semantics = [#tpu.dimension_semantics<arbitrary>], iteration_bounds = array<i64: 8>, scalar_prefetch = 0 : i64, scratch_operands = 0 : i64, tpu.core_type = #tpu.core_type<tc>, window_params = [{transform_indices = @transform_0, window_bounds = array<i64: 256, 768>}, {transform_indices = @transform_1, window_bounds = array<i64: 256, 768>}, {transform_indices = @transform_2, window_bounds = array<i64: 256, 768>}, {transform_indices = @transform_3, window_bounds = array<i64: 256, 128>}, {pipeline_mode = #tpu.pipeline_mode<synchronous>, transform_indices = @transform_4, window_bounds = array<i64: 1, 768>}, {pipeline_mode = #tpu.pipeline_mode<synchronous>, transform_indices = @transform_5, window_bounds = array<i64: 1, 768>}, {transform_indices = @transform_6, window_bounds = array<i64: 256, 768>}]} {
    %get3A = arith.constant 0 : index
    %get3A_0 = arith.constant 0 : index
    %get3A_1 = vector.load %arg4[%get3A, %get3A_0] : memref<256x128xf32, #tpu.memory_space<vmem>>, vector<256x128xf32>
    %get3A_2 = arith.constant 0 : index
    %get3A_3 = arith.constant 0 : index
    %get3A_4 = vector.load %arg1[%get3A_2, %get3A_3] : memref<256x768xf32, #tpu.memory_space<vmem>>, vector<256x768xf32>
    %slice3A = vector.extract_strided_slice %get3A_1 {offsets = [0, 0], sizes = [256, 1], strides = [1, 1]} : vector<256x128xf32> to vector<256x1xf32>
    %get3A_5 = arith.constant 0 : index
    %get3A_6 = arith.constant 0 : index
    %get3A_7 = vector.load %arg2[%get3A_5, %get3A_6] : memref<256x768xf32, #tpu.memory_space<vmem>>, vector<256x768xf32>
    %mul3A = vector.broadcast %slice3A : vector<256x1xf32> to vector<256x768xf32>
    %mul3A_8 = arith.mulf %mul3A, %get3A_7 : vector<256x768xf32>
    %add3A = arith.addf %get3A_4, %mul3A_8 : vector<256x768xf32>
    %slice3A_9 = vector.extract_strided_slice %get3A_1 {offsets = [0, 1], sizes = [256, 1], strides = [1, 1]} : vector<256x128xf32> to vector<256x1xf32>
    %get3A_10 = arith.constant 0 : index
    %get3A_11 = arith.constant 0 : index
    %get3A_12 = vector.load %arg3[%get3A_10, %get3A_11] : memref<256x768xf32, #tpu.memory_space<vmem>>, vector<256x768xf32>
    %mul3A_13 = vector.broadcast %slice3A_9 : vector<256x1xf32> to vector<256x768xf32>
    %mul3A_14 = arith.mulf %mul3A_13, %get3A_12 : vector<256x768xf32>
    %add3A_15 = arith.addf %add3A, %mul3A_14 : vector<256x768xf32>
    %reduce_sum3A = arith.constant dense<0.000000e+00> : vector<256xf32>
    %reduce_sum3A_16 = vector.multi_reduction <add>, %add3A_15, %reduce_sum3A [1] : vector<256x768xf32> to vector<256xf32>
    %broadcast_in_dim3A = vector.shape_cast %reduce_sum3A_16 : vector<256xf32> to vector<256x1xf32>
    %div3A = arith.constant 7.680000e+02 : f32
    %div3A_17 = vector.broadcast %div3A : f32 to vector<256x1xf32>
    %div3A_18 = arith.divf %broadcast_in_dim3A, %div3A_17 : vector<256x1xf32>
    %sub3A = vector.broadcast %div3A_18 : vector<256x1xf32> to vector<256x768xf32>
    %sub3A_19 = arith.subf %add3A_15, %sub3A : vector<256x768xf32>
    %integer_pow3A = arith.mulf %sub3A_19, %sub3A_19 : vector<256x768xf32>
    %reduce_sum3A_20 = arith.constant dense<0.000000e+00> : vector<256xf32>
    %reduce_sum3A_21 = vector.multi_reduction <add>, %integer_pow3A, %reduce_sum3A_20 [1] : vector<256x768xf32> to vector<256xf32>
    %broadcast_in_dim3A_22 = vector.shape_cast %reduce_sum3A_21 : vector<256xf32> to vector<256x1xf32>
    %div3A_23 = arith.constant 7.680000e+02 : f32
    %div3A_24 = vector.broadcast %div3A_23 : f32 to vector<256x1xf32>
    %div3A_25 = arith.divf %broadcast_in_dim3A_22, %div3A_24 : vector<256x1xf32>
    %sub3A_26 = vector.broadcast %div3A_18 : vector<256x1xf32> to vector<256x768xf32>
    %sub3A_27 = arith.subf %add3A_15, %sub3A_26 : vector<256x768xf32>
    %add3A_28 = arith.constant 9.99999974E-6 : f32
    %add3A_29 = vector.broadcast %add3A_28 : f32 to vector<256x1xf32>
    %add3A_30 = arith.addf %div3A_25, %add3A_29 : vector<256x1xf32>
    %sqrt3A = math.sqrt %add3A_30 : vector<256x1xf32>
    %div3A_31 = vector.broadcast %sqrt3A : vector<256x1xf32> to vector<256x768xf32>
    %div3A_32 = arith.divf %sub3A_27, %div3A_31 : vector<256x768xf32>
    %get3A_33 = arith.constant 0 : index
    %get3A_34 = arith.constant 0 : index
    %get3A_35 = vector.load %arg5[%get3A_33, %get3A_34] : memref<1x768xf32, #tpu.memory_space<vmem>>, vector<1x768xf32>
    %mul3A_36 = vector.broadcast %get3A_35 : vector<1x768xf32> to vector<256x768xf32>
    %mul3A_37 = arith.mulf %div3A_32, %mul3A_36 : vector<256x768xf32>
    %get3A_38 = arith.constant 0 : index
    %get3A_39 = arith.constant 0 : index
    %get3A_40 = vector.load %arg6[%get3A_38, %get3A_39] : memref<1x768xf32, #tpu.memory_space<vmem>>, vector<1x768xf32>
    %add3A_41 = vector.broadcast %get3A_40 : vector<1x768xf32> to vector<256x768xf32>
    %add3A_42 = arith.addf %mul3A_37, %add3A_41 : vector<256x768xf32>
    %swap3A = arith.constant 0 : index
    %swap3A_43 = arith.constant 0 : index
    %swap3A_44 = vector.load %arg7[%swap3A, %swap3A_43] : memref<256x768xf32, #tpu.memory_space<vmem>>, vector<256x768xf32>
    tpu.vector_store %arg7[%swap3A, %swap3A_43], %add3A_42 {strides = array<i32>} : memref<256x768xf32, #tpu.memory_space<vmem>>, vector<256x768xf32>,
    return
  }
  func.func @transform_0(%arg0: i32) -> (i32, i32) {
    %c0_i32 = arith.constant 0 : i32
    %c0_i32_0 = arith.constant 0 : i32
    return %arg0, %c0_i32 : i32, i32
  }
  func.func @transform_1(%arg0: i32) -> (i32, i32) {
    %c0_i32 = arith.constant 0 : i32
    %c0_i32_0 = arith.constant 0 : i32
    return %arg0, %c0_i32 : i32, i32
  }
  func.func @transform_2(%arg0: i32) -> (i32, i32) {
    %c0_i32 = arith.constant 0 : i32
    %c0_i32_0 = arith.constant 0 : i32
    return %arg0, %c0_i32 : i32, i32
  }
  func.func @transform_3(%arg0: i32) -> (i32, i32) {
    %c0_i32 = arith.constant 0 : i32
    %c0_i32_0 = arith.constant 0 : i32
    return %arg0, %c0_i32 : i32, i32
  }
  func.func @transform_4(%arg0: i32) -> (i32, i32) {
    %c0_i32 = arith.constant 0 : i32
    %c0_i32_0 = arith.constant 0 : i32
    %c0_i32_1 = arith.constant 0 : i32
    return %c0_i32, %c0_i32_0 : i32, i32
  }
  func.func @transform_5(%arg0: i32) -> (i32, i32) {
    %c0_i32 = arith.constant 0 : i32
    %c0_i32_0 = arith.constant 0 : i32
    %c0_i32_1 = arith.constant 0 : i32
    return %c0_i32, %c0_i32_0 : i32, i32
  }
  func.func @transform_6(%arg0: i32) -> (i32, i32) {
    %c0_i32 = arith.constant 0 : i32
    %c0_i32_0 = arith.constant 0 : i32
    return %arg0, %c0_i32 : i32, i32
  }
}

</mosaic_0001>

<sc_bundles>
// kernel: kernel.10.cloned.1.call-start
scs
__scs_entry_jumppad:
0x0: {  	(pc) =	sbr.rel $0x88, $3  }
0x1: {  	(tag) =	ssettag $0x0;
	lr =	simm.s32 $0x1  }
0x2: {  	[smem:$0x3F8F] =	sst lr;
	_ =	strace $0xD0000000  }
0x3: {  	_ = 	snop  }
0x4: {  	_ = 	snop  }
0x5: {  	_ = 	snop  }
0x6: {  	_ = 	snop  }
0x7: {  	_ = 	snop  }
__scs_overlays_trampoline_lowered:
0x8: {  	[smem:$0x3F9E] =	sst s0  }
0x9: {  	[smem:$0x3F9F] =	sst s1  }
0xa: {  	[smem:$0x3FA0] =	sst s2  }
0xb: {  	[smem:$0x3FA1] =	sst s3  }
0xc: {  	[smem:$0x3FA2] =	sst s4  }
0xd: {  	[smem:$0x3FA3] =	sst s5  }
0xe: {  	[smem:$0x3FA4] =	sst s6  }
0xf: {  	[smem:$0x3FA5] =	sst s7  }
0x10: {  	[smem:$0x3FA6] =	sst s8  }
0x11: {  	[smem:$0x3FA7] =	sst s9;
	s0 =	simm.s32 @!p0 $0x0  }
0x12: {  	s1 =	sld [smem:$0x3F8D];
	s0 =	simm.s32 @p0 $0x1  }
0x13: {  	[smem:$0x3FA8] =	sst s0;
	s0 =	simm.s32 @!p1 $0x0  }
0x14: {  	s2 =	sld [smem:$0x3F8C];
	s0 =	simm.s32 @p1 $0x1  }
0x15: {  	[smem:$0x3FA9] =	sst s0;
	s0 =	simm.s32 @!p2 $0x0  }
0x16: {  	s3 =	sld [smem:$0x3FDB];
	s0 =	simm.s32 @p2 $0x1  }
0x17: {  	s4 =	simm.s32 $0x1BF5;
	[smem:$0x3FAB] =	sst s0  }
0x18: {  	s0 =	sld [smem:$0x3F8E];
	_ =	swait.ge [sflag:s4], $0x0  }
0x19: {  	s7 =	sld [smem:$0x3F8F]  }
0x1a: {  	s8 =	sadd.s32 $0xFFFFE003, lr  }
0x1b: {  	s9 =	sadd.s32 $0xFFFFFEF7, lr;
	s5 =	simm.s32 $0xFFFFFFFF;
	p2 =	slt.u32 s8, $0xFFFFF086  }
0x1c: {  	p1 =	slt.u32 s9, $0xF7A;
	s5 =	simm.s32 @!p2 $0x0  }
0x1d: {  	s5 =	simm.s32 @p1 $0x1;
	p0 =	seq.s32 s7, s2  }
0x1e: {  	s7 =	smul.u32 @!p0 $0xF7A, s2;
	p2 =	seq.s32 @!p0 s5, $0x0  }
0x1f: {  	s9 =	smul.u32 $0xF7A, s1;
	s8 =	simm.s32 @!p0 $0x1BF5;
	p2 =	por !p2, p0  }
0x20: {  	[sflag:s8] =	ssyncset.s32 @!p0 $0xFFFFF086;
	s6 =	sadd.s32 @!p0 s3, s7;
	s7 =	simm.s32 @!p0 $0x108  }
0x21: {  	s3 =	sadd.s32 s3, s9;
	s6 =	sadd.s32 @!p0 $0x88, s6;
	s7 =	simm.s32 @p2 $0x1082  }
0x22: {  	[simem:s7], [sflag:s8] =	dma.local @!p0 [hbm:s6], $0xF7A  }
0x23: {  	s9 =	sor.u32 $0xD0000000, s2;
	s6 =	simm.s32 $0x108;
	_ =	swait.ge @!p0 [sflag:s8], $0x0  }
0x24: {  	s3 =	sadd.s32 $0x88, s3;
	s6 =	simm.s32 @!p1 $0x1082;
	[sflag:s4] =	ssyncset.s32 $0xFFFFF086  }
0x25: {  	[simem:s6], [sflag:s4] =	dma.local [hbm:s3], $0xF7A  }
0x26: {  	[smem:$0x3F8F] =	sst s1;
	(tag) =	ssettag s2;
	_ =	strace s9  }
0x27: {  	s1 =	sld [smem:$0x3F9F]  }
0x28: {  	s2 =	sld [smem:$0x3FA0]  }
0x29: {  	s4 =	sld [smem:$0x3FA2]  }
0x2a: {  	p0 =	seq.s32 s5, $0x0;
	s5 =	sld [smem:$0x3FA3]  }
0x2b: {  	s6 =	sld [smem:$0x3FA4]  }
0x2c: {  	s7 =	sld [smem:$0x3FA5]  }
0x2d: {  	s3 =	simm.s32 $0x108;
	s8 =	sld [smem:$0x3FA6]  }
0x2e: {  	s3 =	simm.s32 @!p0 $0x1082;
	s9 =	sld [smem:$0x3FA7]  }
0x2f: {  	lr =	sadd.s32 s0, s3;
	s0 =	sld [smem:$0x3F9E]  }
0x30: {  	s3 =	sld [smem:$0x3FA1]  }
0x31: {  	[smem:$0x3FAA] =	sst s10  }
0x32: {  	s10 =	sld [smem:$0x3FA8];
	_ =	sdelay $0x3  }
0x33: {  	p0 =	seq.s32 s10, $0x1;
	s10 =	sld [smem:$0x3FAA];
	_ =	sdelay $0x3  }
0x34: {  	[smem:$0x3FAA] =	sst s10  }
0x35: {  	s10 =	sld [smem:$0x3FA9];
	_ =	sdelay $0x3  }
0x36: {  	p1 =	seq.s32 s10, $0x1;
	s10 =	sld [smem:$0x3FAA];
	_ =	sdelay $0x3  }
0x37: {  	[smem:$0x3FAA] =	sst s10  }
0x38: {  	s10 =	sld [smem:$0x3FAB]  }
0x39: {  	_ = 	snop;
	(pc) =	sbr.ind lr, $3  }
0x3a: {  	_ = 	snop  }
0x3b: {  	_ = 	snop  }
0x3c: {  	p2 =	seq.s32 s10, $0x1;
	s10 =	sld [smem:$0x3FAA]  }
0x3d: {  	_ =	shalt  }
0x3e: {  	_ =	shalt  }
0x3f: {  	_ =	shalt  }
0x40: {  	_ =	shalt  }
0x41: {  	_ =	shalt  }
0x42: {  	_ =	shalt  }
0x43: {  	_ =	shalt  }
0x44: {  	_ =	shalt  }
0x45: {  	_ =	shalt  }
0x46: {  	_ =	shalt  }
0x47: {  	_ =	shalt  }
0x48: {  	_ =	shalt  }
0x49: {  	_ =	shalt  }
0x4a: {  	_ =	shalt  }
0x4b: {  	_ =	shalt  }
0x4c: {  	_ =	shalt  }
0x4d: {  	_ =	shalt  }
0x4e: {  	_ =	shalt  }
0x4f: {  	_ =	shalt  }
0x50: {  	_ =	shalt  }
0x51: {  	_ =	shalt  }
0x52: {  	_ =	shalt  }
0x53: {  	_ =	shalt  }
0x54: {  	_ =	shalt  }
0x55: {  	_ =	shalt  }
0x56: {  	_ =	shalt  }
0x57: {  	_ =	shalt  }
0x58: {  	_ =	shalt  }
0x59: {  	_ =	shalt  }
0x5a: {  	_ =	shalt  }
0x5b: {  	_ =	shalt  }
0x5c: {  	_ =	shalt  }
0x5d: {  	_ =	shalt  }
0x5e: {  	_ =	shalt  }
0x5f: {  	_ =	shalt  }
0x60: {  	_ =	shalt  }
0x61: {  	_ =	shalt  }
0x62: {  	_ =	shalt  }
0x63: {  	_ =	shalt  }
0x64: {  	_ =	shalt  }
0x65: {  	_ =	shalt  }
0x66: {  	_ =	shalt  }
0x67: {  	_ =	shalt  }
0x68: {  	_ =	shalt  }
0x69: {  	_ =	shalt  }
0x6a: {  	_ =	shalt  }
0x6b: {  	_ =	shalt  }
0x6c: {  	_ =	shalt  }
0x6d: {  	_ =	shalt  }
0x6e: {  	_ =	shalt  }
0x6f: {  	_ =	shalt  }
0x70: {  	_ =	shalt  }
0x71: {  	_ =	shalt  }
0x72: {  	_ =	shalt  }
0x73: {  	_ =	shalt  }
0x74: {  	_ =	shalt  }
0x75: {  	_ =	shalt  }
0x76: {  	_ =	shalt  }
0x77: {  	_ =	shalt  }
0x78: {  	_ =	shalt  }
0x79: {  	_ =	shalt  }
0x7a: {  	_ =	shalt  }
0x7b: {  	_ =	shalt  }
0x7c: {  	_ =	shalt  }
0x7d: {  	_ =	shalt  }
0x7e: {  	_ =	shalt  }
0x7f: {  	_ =	shalt  }
0x80: {  	_ =	shalt  }
0x81: {  	_ =	shalt  }
0x82: {  	_ =	shalt  }
0x83: {  	_ =	shalt  }
0x84: {  	_ =	shalt  }
0x85: {  	_ =	shalt  }
0x86: {  	_ =	shalt  }
0x87: {  	_ =	shalt  }
.Lfunc_end0:
.L_simem_size_0:
called_computation_lowered:
.L_overlay_start_0:
0x88: {  	s2 =	sld [smem:$0x3FD9]  }
0x89: {  	s3 =	sld [smem:$0x3FFE];
	_ =	sdelay $0x1  }
0x8a: {  	s1 =	srdreg.scid  }
0x8b: {  	s0 =	sand.u32 $0x1, s1  }
0x8c: {  	s14 =	sshll.u32 s0, $0xA;
	s2 =	sadd.s32 s3, s2  }
0x8d: {  	s2 =	sadd.s32 s2, s14  }
0x8e: {  	[smem:$0x3FB6] =	sst s2  }
0x8f: {  	_ = 	snop  }
0x90: {  	s2 =	sld [smem:$0x3FD0];
	_ =	sdelay $0x2  }
0x91: {  	s15 =	simm.s32 $0xA;
	s4 =	simm.s32 $0x10  }
0x92: {  	[smem:s4], [sflag:s15] =	dma.local [hbm:s2], $0x1  }
0x93: {  	_ =	swait.eq [sflag:s15], $0x1  }
0x94: {  	[sflag:s15] =	ssyncset.done $0x0  }
0x95: {  	[sflag:s15] =	ssyncadd.s32 $0xFFFFFFFF  }
0x96: {  	s16 =	sld [smem:$0x11];
	(tm) =	ssettm $0x1  }
0x97: {  	s17 =	sld [smem:$0x3FFB];
	_ =	sdelay $0x3  }
0x98: {  	_ =	strace s17  }
0x99: {  	s3 =	sld [smem:$0x3FFC];
	_ =	sdelay $0x3  }
0x9a: {  	_ =	strace s3  }
0x9b: {  	s3 =	sld [smem:$0x3FFD];
	_ =	sdelay $0x3  }
0x9c: {  	_ =	strace s3  }
0x9d: {  	_ =	strace $0x8FFFFFFF  }
0x9e: {  	s18 =	sld [smem:$0x3FDB];
	_ =	sdelay $0x1  }
0x9f: {  	s19 =	simm.s32 $_scs_section_size  }
0xa0: {  	s5 =	simm.s32 $_size__tile_overlayer_lowered;
	s6 =	simm.s32 $_tile_overlayer_lowered  }
0xa1: {  	s22 =	simm.s32 $0x1BFF;
	s21 =	sshll.u32 s6, $0x1;
	s3 =	sadd.s32 s19, s18  }
0xa2: {  	s7 =	simm.s32 $0x0;
	s20 =	sshll.u32 s5, $0x1;
	s5 =	sadd.s32 s21, s3  }
0xa3: {  	[timem:s7], [sflag:s22] =	dma.local [hbm:s5], s20  }
0xa4: {  	_ =	swait.ge [sflag:s22], s20  }
0xa5: {  	s4 =	ssub.s32 $0x0, s20;
	[sflag:s22] =	ssyncset.done $0x0  }
0xa6: {  	[sflag:s22] =	ssyncadd.s32 s4;
	_ =	sdelay $0x1  }
0xa7: {  	s23 =	simm.s32 $0x1B8B  }
0xa8: {  	_ =	swait.ge [sflag:s23], $0x1  }
0xa9: {  	[sflag:s23] =	ssyncset.done $0x0  }
0xaa: {  	s25 =	simm.s32 $0x1B8E;
	s24 =	sld [smem:$0x3FFE];
	[sflag:s23] =	ssyncadd.s32 $0xFFFFFFFF  }
0xab: {  	s26 =	simm.s32 $execute0_lowered;
	[smem:$0x3FD2] =	sst s25  }
0xac: {  	s5 =	sshll.u32 s26, $0x1;
	_ =	strace $0x80000046;
	[dreg:$0x1] =	wrdreg $0xFFFFFFFF  }
0xad: {  	s28 =	simm.s32 $_size_execute0_lowered;
	s3 =	sadd.s32 s3, s5;
	[dreg:$0x0] =	wrdreg $0x0  }
0xae: {  	s5 =	sshll.u32 s28, $0x1;
	[dreg:$0x2] =	wrdreg s3  }
0xaf: {  	[dreg:$0x3] =	wrdreg s5  }
0xb0: {  	[dreg:$0x4] =	wrdreg $0xC0  }
0xb1: {  	_ =	task [dreg:s7], $0x5FFFF  }
0xb2: {  	[dreg:$0x1] =	wrdreg $0xFFFFFFFF  }
0xb3: {  	[dreg:$0x0] =	wrdreg $0x60  }
0xb4: {  	[dreg:$0x2] =	wrdreg s24  }
0xb5: {  	[dreg:$0x3] =	wrdreg s16  }
0xb6: {  	[dreg:$0x4] =	wrdreg $0x9  }
0xb7: {  	_ =	task.clear_ibuf [dreg:s7], $0x5FFFF;
	_ =	strace $0x90000046  }
0xb8: {  	s29 =	simm.s32 $0x9;
	_ =	strace $0x80000048  }
0xb9: {  	_ =	swait.ge [sflag:s29], $0x1  }
0xba: {  	[sflag:s29] =	ssyncadd.s32 $0xFFFFFFFF  }
0xbb: {  	_ =	strace $0x90000048  }
0xbc: {  	_ =	sfence  }
0xbd: {  	s30 =	sld [smem:$0x0];
	_ =	sdelay $0x2  }
0xbe: {  	s31 =	sshll.u32 s1, $0xD;
	s1 =	sshrl.u32 s1, $0x2  }
0xbf: {  	s3 =	sand.u32 $0x4000, s31;
	s1 =	sadd.s32 s1, s30  }
0xc0: {  	s0 =	sor.u32 s3, s0;
	s1 =	sshll.u32 s1, $0x11  }
0xc1: {  	s0 =	sor.u32 s1, s0  }
0xc2: {  	s0 =	sadd.s32 $0x8F2B, s0  }
0xc3: {  	[sflag:s0] =	ssyncadd.remote.s32 $0x1  }
0xc4: {  	_ =	sfence.sel $0xFFFF  }
0xc5: {  	[dreg:$0x0] =	wrdreg $0xFFFFFFFF;
	(pc) =	sbr.abs _section_cstart, $3  }
0xc6: {  	[dreg:$0x1] =	wrdreg $0xFFFFFFFF  }
0xc7: {  	_ =	task.clear_ibuf [dreg:s7], $0x2FFFF;
	_ =	strace $0x9FFFFFFF  }
0xc8: {  	(tm) =	ssettm $0x7FFFFFFF  }
0xc9: {  	_ =	shalt  }
tec
execute0_lowered:
.L_overlay_start_1:
0x0: {  	(tag) =	ssettag $0x1  }
0x1: {  	s0 =	srdreg.scid;
	s1 =	rddreg [dreg:$0x0]  }
0x2: {  	s2 =	stileid.u32;
	s4 =	rddreg [dreg:$0x1];
	s8 =	simm.s32 $0x2  }
0x3: {  	s9 =	simm.s32 $0x1;
	s10 =	simm.s32 $0xC000;
	s11 =	simm.s32 $0x800  }
0x4: {  	s12 =	simm.s32 $0x1000;
	s13 =	simm.s32 $0x1800;
	s14 =	simm.s32 $0x2000  }
0x5: {  	s15 =	simm.s32 $0x2800;
	s16 =	simm.s32 $0x3000;
	s17 =	simm.s32 $0x3800  }
0x6: {  	s18 =	simm.s32 $0x4000;
	s19 =	simm.s32 $0x4800;
	s20 =	simm.s32 $0x5000  }
0x7: {  	s21 =	simm.s32 $0x5800;
	s22 =	simm.s32 $0x6000;
	s23 =	simm.s32 $0x6800  }
0x8: {  	s24 =	simm.s32 $0x7000;
	s25 =	simm.s32 $0x7800;
	s28 =	simm.s32 $0x8800  }
0x9: {  	s29 =	simm.s32 $0x9000;
	s30 =	simm.s32 $0x9800;
	s31 =	simm.s32 $0xA000  }
0xa: {  	s0 =	sand.u32 $0x1, s0;
	s5 =	sshll.u32 s2, $0x3;
	s2 =	simm.s32 $0x0  }
0xb: {  	s3 =	sshll.u32 s0, $0x7;
	[smem:$0x7FF] =	sst s2;
	s0 =	ssub.s32 $0x2, s0  }
0xc: {  	s5 =	sor.u32 s5, s3;
	_ =	strace $0x80000047;
	s7 =	sshrl.u32 s0, $0x1  }
0xd: {  	s3 =	smul.u32 $0x300, s5;
	s4 =	sadd.s32 s4, s5;
	s0 =	ssub.s32 s0, s7  }
0xe: {  	s5 =	sadd.s32 $0x61B00, s1;
	[dreg:$0x5] =	wrdreg s4;
	s26 =	sadd.s32 $0x100, s4  }
0xf: {  	v2 =	vlaneseq.u32;
	s7 =	smax.u32 s0, $0x1;
	s6 =	sadd.s32 s3, s1;
	s3 =	sadd.s32 $0x61A00, s1  }
0x10: {  	vm0 =	vmmov $0xffff;
	v1 =	vshrl.u32 v2, $0x3;
	[dreg:$0x4] =	wrdreg s26;
	s26 =	simm.s32 $0x8000;
	s6 =	sadd.s32 $0x31A00, s6  }
0x11: {  	v0 =	vand.u32 $0x7, v2;
	v2 =	vor.u32 $0x8, v2;
	v1 =	vmul.u32 $0x8, v1;
	[dreg:$0x3] =	wrdreg s6;
	s6 =	sadd.s32 $0x61C00, s1;
	s1 =	simm.s32 $0xA800  }
.LBB2_1:
0x12: {  	s4 =	rddreg [dreg:$0x3]  }
0x13: {  	[tilespmem:s2], [sflag:$0x2] =	stream.linear.gather [hbm4b:s4+s2], $0xC000, $0x38;
	[tilespmem:$0xC080] =	vst v63  }
0x14: {  	_ =	swait.ge [sflag:s8], $0xC000  }
0x15: {  	[sflag:s8] =	ssyncset.done $0x0  }
0x16: {  	s0 =	rddreg [dreg:$0x5];
	[sflag:s8] =	ssyncadd.s32 $0xFFFF4000  }
0x17: {  	[tilespmem:s10], [sflag:$0x2] =	stream.linear.gather [hbm4b:s0+s2], $0x40, $0x38;
	[tilespmem:$0xC080] =	vst v63  }
0x18: {  	_ =	swait.ge [sflag:s8], $0x40  }
0x19: {  	[sflag:s8] =	ssyncset.done $0x0  }
0x1a: {  	[sflag:s8] =	ssyncadd.s32 $0xFFFFFFC0  }
0x1b: {  	v3 =	vld [tilespmem:$0xC000];
	_ =	sdelay $0x4  }
0x1c: {  	v4 =	vshrl.u32 v3, $0x3  }
0x1d: {  	v4 =	vmul.u32 $0x30, v4  }
0x1e: {  	v3 =	vand.u32 $0x7, v3  }
0x1f: {  	v3 =	vor.u32 v3, v4  }
0x20: {  	v4 =	vperm.xlane v3, v0;
	_ =	sdelay $0x1  }
0x21: {  	v4 =	vadd.s32 v1, v4;
	_ =	sdelay $0x3  }
0x22: {  	v3 =	vperm.xlane v3, v2  }
0x23: {  	[hbm4b:s3+s2] =	stream.indirect_vreg.scatter [tilespmem:s2], [sflag:$0x1], $0x80, v4, vm0, $0xb8;
	[tilespmem:$0xC080] =	vst v63  }
0x24: {  	v3 =	vadd.s32 v1, v3  }
0x25: {  	[hbm4b:s5+s2] =	stream.indirect_vreg.scatter [tilespmem:s11], [sflag:$0x1], $0x80, v4, vm0, $0xb8;
	[tilespmem:$0xC080] =	vst v63  }
0x26: {  	_ = 	snop  }
0x27: {  	[hbm4b:s6+s2] =	stream.indirect_vreg.scatter [tilespmem:s12], [sflag:$0x1], $0x80, v4, vm0, $0xb8;
	[tilespmem:$0xC080] =	vst v63  }
0x28: {  	_ = 	snop  }
0x29: {  	[hbm4b:s3+s2] =	stream.indirect_vreg.scatter [tilespmem:s13], [sflag:$0x1], $0x80, v3, vm0, $0xb8;
	[tilespmem:$0xC080] =	vst v63  }
0x2a: {  	_ = 	snop  }
0x2b: {  	[hbm4b:s5+s2] =	stream.indirect_vreg.scatter [tilespmem:s14], [sflag:$0x1], $0x80, v3, vm0, $0xb8;
	[tilespmem:$0xC080] =	vst v63  }
0x2c: {  	_ = 	snop  }
0x2d: {  	[hbm4b:s6+s2] =	stream.indirect_vreg.scatter [tilespmem:s15], [sflag:$0x1], $0x80, v3, vm0, $0xb8;
	[tilespmem:$0xC080] =	vst v63  }
0x2e: {  	v3 =	vld [tilespmem:$0xC010];
	_ =	sdelay $0x4  }
0x2f: {  	v57 =	vshrl.u32 v3, $0x3  }
0x30: {  	v4 =	vmul.u32 $0x30, v57  }
0x31: {  	v3 =	vand.u32 $0x7, v3  }
0x32: {  	v3 =	vor.u32 v3, v4  }
0x33: {  	v4 =	vperm.xlane v3, v0;
	_ =	sdelay $0x1  }
0x34: {  	v4 =	vadd.s32 v1, v4;
	_ =	sdelay $0x3  }
0x35: {  	v3 =	vperm.xlane v3, v2  }
0x36: {  	[hbm4b:s3+s2] =	stream.indirect_vreg.scatter [tilespmem:s16], [sflag:$0x1], $0x80, v4, vm0, $0xb8;
	[tilespmem:$0xC080] =	vst v63  }
0x37: {  	v3 =	vadd.s32 v1, v3  }
0x38: {  	[hbm4b:s5+s2] =	stream.indirect_vreg.scatter [tilespmem:s17], [sflag:$0x1], $0x80, v4, vm0, $0xb8;
	[tilespmem:$0xC080] =	vst v63  }
0x39: {  	_ = 	snop  }
0x3a: {  	[hbm4b:s6+s2] =	stream.indirect_vreg.scatter [tilespmem:s18], [sflag:$0x1], $0x80, v4, vm0, $0xb8;
	[tilespmem:$0xC080] =	vst v63  }
0x3b: {  	_ = 	snop  }
0x3c: {  	[hbm4b:s3+s2] =	stream.indirect_vreg.scatter [tilespmem:s19], [sflag:$0x1], $0x80, v3, vm0, $0xb8;
	[tilespmem:$0xC080] =	vst v63  }
0x3d: {  	_ = 	snop  }
0x3e: {  	[hbm4b:s5+s2] =	stream.indirect_vreg.scatter [tilespmem:s20], [sflag:$0x1], $0x80, v3, vm0, $0xb8;
	[tilespmem:$0xC080] =	vst v63  }
0x3f: {  	_ = 	snop  }
0x40: {  	[hbm4b:s6+s2] =	stream.indirect_vreg.scatter [tilespmem:s21], [sflag:$0x1], $0x80, v3, vm0, $0xb8;
	[tilespmem:$0xC080] =	vst v63  }
0x41: {  	v3 =	vld [tilespmem:$0xC020];
	_ =	sdelay $0x4  }
0x42: {  	v58 =	vshrl.u32 v3, $0x3  }
0x43: {  	v4 =	vmul.u32 $0x30, v58  }
0x44: {  	v3 =	vand.u32 $0x7, v3  }
0x45: {  	v3 =	vor.u32 v3, v4  }
0x46: {  	v4 =	vperm.xlane v3, v0;
	_ =	sdelay $0x1  }
0x47: {  	v4 =	vadd.s32 v1, v4;
	_ =	sdelay $0x3  }
0x48: {  	v3 =	vperm.xlane v3, v2  }
0x49: {  	[hbm4b:s3+s2] =	stream.indirect_vreg.scatter [tilespmem:s22], [sflag:$0x1], $0x80, v4, vm0, $0xb8;
	[tilespmem:$0xC080] =	vst v63  }
0x4a: {  	v3 =	vadd.s32 v1, v3  }
0x4b: {  	[hbm4b:s5+s2] =	stream.indirect_vreg.scatter [tilespmem:s23], [sflag:$0x1], $0x80, v4, vm0, $0xb8;
	[tilespmem:$0xC080] =	vst v63  }
0x4c: {  	_ = 	snop  }
0x4d: {  	[hbm4b:s6+s2] =	stream.indirect_vreg.scatter [tilespmem:s24], [sflag:$0x1], $0x80, v4, vm0, $0xb8;
	[tilespmem:$0xC080] =	vst v63  }
0x4e: {  	_ = 	snop  }
0x4f: {  	[hbm4b:s3+s2] =	stream.indirect_vreg.scatter [tilespmem:s25], [sflag:$0x1], $0x80, v3, vm0, $0xb8;
	[tilespmem:$0xC080] =	vst v63  }
0x50: {  	_ = 	snop  }
0x51: {  	[hbm4b:s5+s2] =	stream.indirect_vreg.scatter [tilespmem:s26], [sflag:$0x1], $0x80, v3, vm0, $0xb8;
	[tilespmem:$0xC080] =	vst v63  }
0x52: {  	_ = 	snop  }
0x53: {  	[hbm4b:s6+s2] =	stream.indirect_vreg.scatter [tilespmem:s28], [sflag:$0x1], $0x80, v3, vm0, $0xb8;
	[tilespmem:$0xC080] =	vst v63  }
0x54: {  	v3 =	vld [tilespmem:$0xC030];
	_ =	sdelay $0x4  }
0x55: {  	v59 =	vshrl.u32 v3, $0x3  }
0x56: {  	v4 =	vmul.u32 $0x30, v59  }
0x57: {  	v3 =	vand.u32 $0x7, v3  }
0x58: {  	v3 =	vor.u32 v3, v4  }
0x59: {  	v4 =	vperm.xlane v3, v0;
	_ =	sdelay $0x1  }
0x5a: {  	v4 =	vadd.s32 v1, v4;
	_ =	sdelay $0x3  }
0x5b: {  	v3 =	vperm.xlane v3, v2  }
0x5c: {  	[hbm4b:s3+s2] =	stream.indirect_vreg.scatter [tilespmem:s29], [sflag:$0x1], $0x80, v4, vm0, $0xb8;
	[tilespmem:$0xC080] =	vst v63  }
0x5d: {  	v3 =	vadd.s32 v1, v3  }
0x5e: {  	[hbm4b:s5+s2] =	stream.indirect_vreg.scatter [tilespmem:s30], [sflag:$0x1], $0x80, v4, vm0, $0xb8;
	[tilespmem:$0xC080] =	vst v63  }
0x5f: {  	_ = 	snop  }
0x60: {  	[hbm4b:s6+s2] =	stream.indirect_vreg.scatter [tilespmem:s31], [sflag:$0x1], $0x80, v4, vm0, $0xb8;
	[tilespmem:$0xC080] =	vst v63  }
0x61: {  	_ = 	snop  }
0x62: {  	[hbm4b:s3+s2] =	stream.indirect_vreg.scatter [tilespmem:s1], [sflag:$0x1], $0x80, v3, vm0, $0xb8;
	[tilespmem:$0xC080] =	vst v63  }
0x63: {  	s0 =	simm.s32 $0xB000  }
0x64: {  	[hbm4b:s5+s2] =	stream.indirect_vreg.scatter [tilespmem:s0], [sflag:$0x1], $0x80, v3, vm0, $0xb8;
	[tilespmem:$0xC080] =	vst v63  }
0x65: {  	s4 =	simm.s32 $0xB800  }
0x66: {  	[hbm4b:s6+s2] =	stream.indirect_vreg.scatter [tilespmem:s4], [sflag:$0x1], $0x80, v3, vm0, $0xb8;
	[tilespmem:$0xC080] =	vst v63  }
0x67: {  	_ =	swait.ge [sflag:s9], $0xC000  }
0x68: {  	[sflag:s9] =	ssyncset.done $0x0  }
0x69: {  	s4 =	rddreg [dreg:$0x4];
	[sflag:s9] =	ssyncadd.s32 $0xFFFF4000  }
0x6a: {  	[tilespmem:s10], [sflag:$0x2] =	stream.linear.gather [hbm4b:s4+s2], $0x40, $0x38;
	[tilespmem:$0xC080] =	vst v63  }
0x6b: {  	_ =	swait.ge [sflag:s8], $0x40  }
0x6c: {  	[sflag:s8] =	ssyncset.done $0x0  }
0x6d: {  	[sflag:s8] =	ssyncadd.s32 $0xFFFFFFC0  }
0x6e: {  	v3 =	vld [tilespmem:$0xC000];
	_ =	sdelay $0x4  }
0x6f: {  	v60 =	vshrl.u32 v3, $0x3  }
0x70: {  	v4 =	vmul.u32 $0x30, v60  }
0x71: {  	v3 =	vand.u32 $0x7, v3  }
0x72: {  	v3 =	vor.u32 v3, v4  }
0x73: {  	v4 =	vperm.xlane v3, v0;
	_ =	sdelay $0x1  }
0x74: {  	v4 =	vadd.s32 v1, v4;
	_ =	sdelay $0x3  }
0x75: {  	v3 =	vperm.xlane v3, v2  }
0x76: {  	[hbm4b:s3+s2] =	stream.indirect_vreg.scatter [tilespmem:s2], [sflag:$0x1], $0x80, v4, vm0, $0xb8;
	[tilespmem:$0xC080] =	vst v63  }
0x77: {  	v3 =	vadd.s32 v1, v3  }
0x78: {  	[hbm4b:s5+s2] =	stream.indirect_vreg.scatter [tilespmem:s11], [sflag:$0x1], $0x80, v4, vm0, $0xb8;
	[tilespmem:$0xC080] =	vst v63  }
0x79: {  	_ = 	snop  }
0x7a: {  	[hbm4b:s6+s2] =	stream.indirect_vreg.scatter [tilespmem:s12], [sflag:$0x1], $0x80, v4, vm0, $0xb8;
	[tilespmem:$0xC080] =	vst v63  }
0x7b: {  	_ = 	snop  }
0x7c: {  	[hbm4b:s3+s2] =	stream.indirect_vreg.scatter [tilespmem:s13], [sflag:$0x1], $0x80, v3, vm0, $0xb8;
	[tilespmem:$0xC080] =	vst v63  }
0x7d: {  	_ = 	snop  }
0x7e: {  	[hbm4b:s5+s2] =	stream.indirect_vreg.scatter [tilespmem:s14], [sflag:$0x1], $0x80, v3, vm0, $0xb8;
	[tilespmem:$0xC080] =	vst v63  }
0x7f: {  	_ = 	snop  }
0x80: {  	[hbm4b:s6+s2] =	stream.indirect_vreg.scatter [tilespmem:s15], [sflag:$0x1], $0x80, v3, vm0, $0xb8;
	[tilespmem:$0xC080] =	vst v63  }
0x81: {  	v3 =	vld [tilespmem:$0xC010];
	_ =	sdelay $0x4  }
0x82: {  	v61 =	vshrl.u32 v3, $0x3  }
0x83: {  	v4 =	vmul.u32 $0x30, v61  }
0x84: {  	v3 =	vand.u32 $0x7, v3  }
0x85: {  	v3 =	vor.u32 v3, v4  }
0x86: {  	v4 =	vperm.xlane v3, v0;
	_ =	sdelay $0x1  }
0x87: {  	v4 =	vadd.s32 v1, v4;
	_ =	sdelay $0x3  }
0x88: {  	v3 =	vperm.xlane v3, v2  }
0x89: {  	[hbm4b:s3+s2] =	stream.indirect_vreg.scatter [tilespmem:s16], [sflag:$0x1], $0x80, v4, vm0, $0xb8;
	[tilespmem:$0xC080] =	vst v63  }
0x8a: {  	v3 =	vadd.s32 v1, v3  }
0x8b: {  	[hbm4b:s5+s2] =	stream.indirect_vreg.scatter [tilespmem:s17], [sflag:$0x1], $0x80, v4, vm0, $0xb8;
	[tilespmem:$0xC080] =	vst v63  }
0x8c: {  	_ = 	snop  }
0x8d: {  	[hbm4b:s6+s2] =	stream.indirect_vreg.scatter [tilespmem:s18], [sflag:$0x1], $0x80, v4, vm0, $0xb8;
	[tilespmem:$0xC080] =	vst v63  }
0x8e: {  	_ = 	snop  }
0x8f: {  	[hbm4b:s3+s2] =	stream.indirect_vreg.scatter [tilespmem:s19], [sflag:$0x1], $0x80, v3, vm0, $0xb8;
	[tilespmem:$0xC080] =	vst v63  }
0x90: {  	_ = 	snop  }
0x91: {  	[hbm4b:s5+s2] =	stream.indirect_vreg.scatter [tilespmem:s20], [sflag:$0x1], $0x80, v3, vm0, $0xb8;
	[tilespmem:$0xC080] =	vst v63  }
0x92: {  	_ = 	snop  }
0x93: {  	[hbm4b:s6+s2] =	stream.indirect_vreg.scatter [tilespmem:s21], [sflag:$0x1], $0x80, v3, vm0, $0xb8;
	[tilespmem:$0xC080] =	vst v63  }
0x94: {  	v3 =	vld [tilespmem:$0xC020];
	_ =	sdelay $0x4  }
0x95: {  	v62 =	vshrl.u32 v3, $0x3  }
0x96: {  	v4 =	vmul.u32 $0x30, v62  }
0x97: {  	v3 =	vand.u32 $0x7, v3  }
0x98: {  	v3 =	vor.u32 v3, v4  }
0x99: {  	v4 =	vperm.xlane v3, v0;
	_ =	sdelay $0x1  }
0x9a: {  	v4 =	vadd.s32 v1, v4;
	_ =	sdelay $0x3  }
0x9b: {  	v3 =	vperm.xlane v3, v2  }
0x9c: {  	[hbm4b:s3+s2] =	stream.indirect_vreg.scatter [tilespmem:s22], [sflag:$0x1], $0x80, v4, vm0, $0xb8;
	[tilespmem:$0xC080] =	vst v63  }
0x9d: {  	v3 =	vadd.s32 v1, v3  }
0x9e: {  	[hbm4b:s5+s2] =	stream.indirect_vreg.scatter [tilespmem:s23], [sflag:$0x1], $0x80, v4, vm0, $0xb8;
	[tilespmem:$0xC080] =	vst v63  }
0x9f: {  	_ = 	snop  }
0xa0: {  	[hbm4b:s6+s2] =	stream.indirect_vreg.scatter [tilespmem:s24], [sflag:$0x1], $0x80, v4, vm0, $0xb8;
	[tilespmem:$0xC080] =	vst v63  }
0xa1: {  	_ = 	snop  }
0xa2: {  	[hbm4b:s3+s2] =	stream.indirect_vreg.scatter [tilespmem:s25], [sflag:$0x1], $0x80, v3, vm0, $0xb8;
	[tilespmem:$0xC080] =	vst v63  }
0xa3: {  	_ = 	snop  }
0xa4: {  	[hbm4b:s5+s2] =	stream.indirect_vreg.scatter [tilespmem:s26], [sflag:$0x1], $0x80, v3, vm0, $0xb8;
	[tilespmem:$0xC080] =	vst v63  }
0xa5: {  	_ = 	snop  }
0xa6: {  	[hbm4b:s6+s2] =	stream.indirect_vreg.scatter [tilespmem:s28], [sflag:$0x1], $0x80, v3, vm0, $0xb8;
	[tilespmem:$0xC080] =	vst v63  }
0xa7: {  	v3 =	vld [tilespmem:$0xC030];
	_ =	sdelay $0x4  }
0xa8: {  	v63 =	vshrl.u32 v3, $0x3  }
0xa9: {  	v4 =	vmul.u32 $0x30, v63  }
0xaa: {  	v3 =	vand.u32 $0x7, v3  }
0xab: {  	v3 =	vor.u32 v3, v4  }
0xac: {  	v4 =	vperm.xlane v3, v0;
	_ =	sdelay $0x1  }
0xad: {  	v4 =	vadd.s32 v1, v4;
	_ =	sdelay $0x3  }
0xae: {  	v3 =	vperm.xlane v3, v2  }
0xaf: {  	[hbm4b:s3+s2] =	stream.indirect_vreg.scatter [tilespmem:s29], [sflag:$0x1], $0x80, v4, vm0, $0xb8;
	[tilespmem:$0xC080] =	vst v63  }
0xb0: {  	v3 =	vadd.s32 v1, v3  }
0xb1: {  	[hbm4b:s5+s2] =	stream.indirect_vreg.scatter [tilespmem:s30], [sflag:$0x1], $0x80, v4, vm0, $0xb8;
	[tilespmem:$0xC080] =	vst v63  }
0xb2: {  	_ = 	snop  }
0xb3: {  	[hbm4b:s6+s2] =	stream.indirect_vreg.scatter [tilespmem:s31], [sflag:$0x1], $0x80, v4, vm0, $0xb8;
	[tilespmem:$0xC080] =	vst v63  }
0xb4: {  	_ = 	snop  }
0xb5: {  	[hbm4b:s3+s2] =	stream.indirect_vreg.scatter [tilespmem:s1], [sflag:$0x1], $0x80, v3, vm0, $0xb8;
	[tilespmem:$0xC080] =	vst v63  }
0xb6: {  	p0 =	sne.s32 s7, $0x1  }
0xb7: {  	[hbm4b:s5+s2] =	stream.indirect_vreg.scatter [tilespmem:s0], [sflag:$0x1], $0x80, v3, vm0, $0xb8;
	[tilespmem:$0xC080] =	vst v63  }
.Ltmp0:
0xb8: {  	s4 =	simm.s32 $0xB800;
	(pc) =	sbr.rel @p0 .LBB2_1-.Ltmp0, $4  }
0xb9: {  	[hbm4b:s6+s2] =	stream.indirect_vreg.scatter [tilespmem:s4], [sflag:$0x1], $0x80, v3, vm0, $0xb8;
	[tilespmem:$0xC080] =	vst v63  }
0xba: {  	_ =	swait.ge [sflag:s9], $0xC000  }
0xbb: {  	[sflag:s9] =	ssyncset.done $0x0  }
0xbc: {  	s7 =	sadd.s32 $0xFFFFFFFF, s7;
	[sflag:s9] =	ssyncadd.s32 $0xFFFF4000  }
0xbd: {  	_ =	sfence.sel $0x180000  }
0xbe: {  	[bflag:$0x0] =	sbarrier.arrive $0xFFFF  }
0xbf: {  	_ =	strace $0x90000047  }
0xc0: {  	s0 =	stileid.u32;
	[bflag:$0x2] =	sbarrier.arrive $0xFFFF  }
0xc1: {  	p0 =	sne.s32 s0, $0x0;
	s0 =	rddreg [dreg:$0x2]  }
0xc2: {  	s0 =	sadd.s32 @!p0 $0x100000, s0  }
0xc3: {  	[sflag:s0] =	ssyncadd.tile.s32 @!p0 $0x1;
	_ =	shalt  }
.Lfunc_end2:
_tile_overlayer_lowered:
.L_overlay_start_2:
0xc4: {  	(tag) =	ssettag $0x2  }
0xc5: {  	s0 =	rddreg [dreg:$0x0];
	s2 =	stileid.u32  }
0xc6: {  	s1 =	rddreg [dreg:$0x1];
	p0 =	sne.s32 s2, $0x0  }
0xc7: {  	s3 =	rddreg [dreg:$0x2];
	[bflag:$0x3] =	sbarrier.arrive $0xFFFF;
	s2 =	simm.s32 @!p0 $0x1C02  }
0xc8: {  	[timem:s3], [sflag:s2] =	dma.local @!p0 [hbm:s0], s1  }
0xc9: {  	s0 =	simm.s32 @!p0 $0x2  }
0xca: {  	_ =	swait.ge @!p0 [sflag:s0], s1  }
0xcb: {  	s1 =	ssub.s32 @!p0 $0x0, s1;
	[sflag:s0] =	ssyncset.done @!p0 $0x0  }
0xcc: {  	[sflag:s0] =	ssyncadd.s32 @!p0 s1  }
0xcd: {  	[bflag:$0x3] =	sbarrier.arrive $0xFFFF  }
0xce: {  	_ =	shalt  }

// kernel: kernel.13.cloned.1.call-start
scs
__scs_entry_jumppad:
0x0: {  	(pc) =	sbr.rel $0x88, $3  }
0x1: {  	(tag) =	ssettag $0x0;
	lr =	simm.s32 $0x1  }
0x2: {  	[smem:$0x3F8F] =	sst lr;
	_ =	strace $0xD0000000  }
0x3: {  	_ = 	snop  }
0x4: {  	_ = 	snop  }
0x5: {  	_ = 	snop  }
0x6: {  	_ = 	snop  }
0x7: {  	_ = 	snop  }
__scs_overlays_trampoline_lowered:
0x8: {  	[smem:$0x3F9E] =	sst s0  }
0x9: {  	[smem:$0x3F9F] =	sst s1  }
0xa: {  	[smem:$0x3FA0] =	sst s2  }
0xb: {  	[smem:$0x3FA1] =	sst s3  }
0xc: {  	[smem:$0x3FA2] =	sst s4  }
0xd: {  	[smem:$0x3FA3] =	sst s5  }
0xe: {  	[smem:$0x3FA4] =	sst s6  }
0xf: {  	[smem:$0x3FA5] =	sst s7  }
0x10: {  	[smem:$0x3FA6] =	sst s8  }
0x11: {  	[smem:$0x3FA7] =	sst s9;
	s0 =	simm.s32 @!p0 $0x0  }
0x12: {  	s1 =	sld [smem:$0x3F8D];
	s0 =	simm.s32 @p0 $0x1  }
0x13: {  	[smem:$0x3FA8] =	sst s0;
	s0 =	simm.s32 @!p1 $0x0  }
0x14: {  	s2 =	sld [smem:$0x3F8C];
	s0 =	simm.s32 @p1 $0x1  }
0x15: {  	[smem:$0x3FA9] =	sst s0;
	s0 =	simm.s32 @!p2 $0x0  }
0x16: {  	s3 =	sld [smem:$0x3FDB];
	s0 =	simm.s32 @p2 $0x1  }
0x17: {  	s4 =	simm.s32 $0x1BF5;
	[smem:$0x3FAB] =	sst s0  }
0x18: {  	s0 =	sld [smem:$0x3F8E];
	_ =	swait.ge [sflag:s4], $0x0  }
0x19: {  	s7 =	sld [smem:$0x3F8F]  }
0x1a: {  	s8 =	sadd.s32 $0xFFFFE003, lr  }
0x1b: {  	s9 =	sadd.s32 $0xFFFFFEF7, lr;
	s5 =	simm.s32 $0xFFFFFFFF;
	p2 =	slt.u32 s8, $0xFFFFF086  }
0x1c: {  	p1 =	slt.u32 s9, $0xF7A;
	s5 =	simm.s32 @!p2 $0x0  }
0x1d: {  	s5 =	simm.s32 @p1 $0x1;
	p0 =	seq.s32 s7, s2  }
0x1e: {  	s7 =	smul.u32 @!p0 $0xF7A, s2;
	p2 =	seq.s32 @!p0 s5, $0x0  }
0x1f: {  	s9 =	smul.u32 $0xF7A, s1;
	s8 =	simm.s32 @!p0 $0x1BF5;
	p2 =	por !p2, p0  }
0x20: {  	[sflag:s8] =	ssyncset.s32 @!p0 $0xFFFFF086;
	s6 =	sadd.s32 @!p0 s3, s7;
	s7 =	simm.s32 @!p0 $0x108  }
0x21: {  	s3 =	sadd.s32 s3, s9;
	s6 =	sadd.s32 @!p0 $0x88, s6;
	s7 =	simm.s32 @p2 $0x1082  }
0x22: {  	[simem:s7], [sflag:s8] =	dma.local @!p0 [hbm:s6], $0xF7A  }
0x23: {  	s9 =	sor.u32 $0xD0000000, s2;
	s6 =	simm.s32 $0x108;
	_ =	swait.ge @!p0 [sflag:s8], $0x0  }
0x24: {  	s3 =	sadd.s32 $0x88, s3;
	s6 =	simm.s32 @!p1 $0x1082;
	[sflag:s4] =	ssyncset.s32 $0xFFFFF086  }
0x25: {  	[simem:s6], [sflag:s4] =	dma.local [hbm:s3], $0xF7A  }
0x26: {  	[smem:$0x3F8F] =	sst s1;
	(tag) =	ssettag s2;
	_ =	strace s9  }
0x27: {  	s1 =	sld [smem:$0x3F9F]  }
0x28: {  	s2 =	sld [smem:$0x3FA0]  }
0x29: {  	s4 =	sld [smem:$0x3FA2]  }
0x2a: {  	p0 =	seq.s32 s5, $0x0;
	s5 =	sld [smem:$0x3FA3]  }
0x2b: {  	s6 =	sld [smem:$0x3FA4]  }
0x2c: {  	s7 =	sld [smem:$0x3FA5]  }
0x2d: {  	s3 =	simm.s32 $0x108;
	s8 =	sld [smem:$0x3FA6]  }
0x2e: {  	s3 =	simm.s32 @!p0 $0x1082;
	s9 =	sld [smem:$0x3FA7]  }
0x2f: {  	lr =	sadd.s32 s0, s3;
	s0 =	sld [smem:$0x3F9E]  }
0x30: {  	s3 =	sld [smem:$0x3FA1]  }
0x31: {  	[smem:$0x3FAA] =	sst s10  }
0x32: {  	s10 =	sld [smem:$0x3FA8];
	_ =	sdelay $0x3  }
0x33: {  	p0 =	seq.s32 s10, $0x1;
	s10 =	sld [smem:$0x3FAA];
	_ =	sdelay $0x3  }
0x34: {  	[smem:$0x3FAA] =	sst s10  }
0x35: {  	s10 =	sld [smem:$0x3FA9];
	_ =	sdelay $0x3  }
0x36: {  	p1 =	seq.s32 s10, $0x1;
	s10 =	sld [smem:$0x3FAA];
	_ =	sdelay $0x3  }
0x37: {  	[smem:$0x3FAA] =	sst s10  }
0x38: {  	s10 =	sld [smem:$0x3FAB]  }
0x39: {  	_ = 	snop;
	(pc) =	sbr.ind lr, $3  }
0x3a: {  	_ = 	snop  }
0x3b: {  	_ = 	snop  }
0x3c: {  	p2 =	seq.s32 s10, $0x1;
	s10 =	sld [smem:$0x3FAA]  }
0x3d: {  	_ =	shalt  }
0x3e: {  	_ =	shalt  }
0x3f: {  	_ =	shalt  }
0x40: {  	_ =	shalt  }
0x41: {  	_ =	shalt  }
0x42: {  	_ =	shalt  }
0x43: {  	_ =	shalt  }
0x44: {  	_ =	shalt  }
0x45: {  	_ =	shalt  }
0x46: {  	_ =	shalt  }
0x47: {  	_ =	shalt  }
0x48: {  	_ =	shalt  }
0x49: {  	_ =	shalt  }
0x4a: {  	_ =	shalt  }
0x4b: {  	_ =	shalt  }
0x4c: {  	_ =	shalt  }
0x4d: {  	_ =	shalt  }
0x4e: {  	_ =	shalt  }
0x4f: {  	_ =	shalt  }
0x50: {  	_ =	shalt  }
0x51: {  	_ =	shalt  }
0x52: {  	_ =	shalt  }
0x53: {  	_ =	shalt  }
0x54: {  	_ =	shalt  }
0x55: {  	_ =	shalt  }
0x56: {  	_ =	shalt  }
0x57: {  	_ =	shalt  }
0x58: {  	_ =	shalt  }
0x59: {  	_ =	shalt  }
0x5a: {  	_ =	shalt  }
0x5b: {  	_ =	shalt  }
0x5c: {  	_ =	shalt  }
0x5d: {  	_ =	shalt  }
0x5e: {  	_ =	shalt  }
0x5f: {  	_ =	shalt  }
0x60: {  	_ =	shalt  }
0x61: {  	_ =	shalt  }
0x62: {  	_ =	shalt  }
0x63: {  	_ =	shalt  }
0x64: {  	_ =	shalt  }
0x65: {  	_ =	shalt  }
0x66: {  	_ =	shalt  }
0x67: {  	_ =	shalt  }
0x68: {  	_ =	shalt  }
0x69: {  	_ =	shalt  }
0x6a: {  	_ =	shalt  }
0x6b: {  	_ =	shalt  }
0x6c: {  	_ =	shalt  }
0x6d: {  	_ =	shalt  }
0x6e: {  	_ =	shalt  }
0x6f: {  	_ =	shalt  }
0x70: {  	_ =	shalt  }
0x71: {  	_ =	shalt  }
0x72: {  	_ =	shalt  }
0x73: {  	_ =	shalt  }
0x74: {  	_ =	shalt  }
0x75: {  	_ =	shalt  }
0x76: {  	_ =	shalt  }
0x77: {  	_ =	shalt  }
0x78: {  	_ =	shalt  }
0x79: {  	_ =	shalt  }
0x7a: {  	_ =	shalt  }
0x7b: {  	_ =	shalt  }
0x7c: {  	_ =	shalt  }
0x7d: {  	_ =	shalt  }
0x7e: {  	_ =	shalt  }
0x7f: {  	_ =	shalt  }
0x80: {  	_ =	shalt  }
0x81: {  	_ =	shalt  }
0x82: {  	_ =	shalt  }
0x83: {  	_ =	shalt  }
0x84: {  	_ =	shalt  }
0x85: {  	_ =	shalt  }
0x86: {  	_ =	shalt  }
0x87: {  	_ =	shalt  }
.Lfunc_end0:
.L_simem_size_0:
called_computation.1_lowered:
.L_overlay_start_0:
0x88: {  	s2 =	sld [smem:$0x3FD9]  }
0x89: {  	s3 =	sld [smem:$0x3FFE];
	_ =	sdelay $0x1  }
0x8a: {  	s1 =	srdreg.scid  }
0x8b: {  	s0 =	sand.u32 $0x1, s1  }
0x8c: {  	s14 =	sshll.u32 s0, $0xA;
	s2 =	sadd.s32 s3, s2  }
0x8d: {  	s2 =	sadd.s32 s2, s14  }
0x8e: {  	[smem:$0x3FB6] =	sst s2  }
0x8f: {  	_ = 	snop  }
0x90: {  	s2 =	sld [smem:$0x3FD0];
	_ =	sdelay $0x2  }
0x91: {  	s15 =	simm.s32 $0xA;
	s4 =	simm.s32 $0x10  }
0x92: {  	[smem:s4], [sflag:s15] =	dma.local [hbm:s2], $0x1  }
0x93: {  	_ =	swait.eq [sflag:s15], $0x1  }
0x94: {  	[sflag:s15] =	ssyncset.done $0x0  }
0x95: {  	[sflag:s15] =	ssyncadd.s32 $0xFFFFFFFF  }
0x96: {  	s16 =	sld [smem:$0x11];
	(tm) =	ssettm $0x1  }
0x97: {  	s17 =	sld [smem:$0x3FFB];
	_ =	sdelay $0x3  }
0x98: {  	_ =	strace s17  }
0x99: {  	s3 =	sld [smem:$0x3FFC];
	_ =	sdelay $0x3  }
0x9a: {  	_ =	strace s3  }
0x9b: {  	s3 =	sld [smem:$0x3FFD];
	_ =	sdelay $0x3  }
0x9c: {  	_ =	strace s3  }
0x9d: {  	_ =	strace $0x8FFFFFFF  }
0x9e: {  	s18 =	sld [smem:$0x3FDB];
	_ =	sdelay $0x1  }
0x9f: {  	s19 =	simm.s32 $_scs_section_size  }
0xa0: {  	s5 =	simm.s32 $_size__tile_overlayer_lowered;
	s6 =	simm.s32 $_tile_overlayer_lowered  }
0xa1: {  	s22 =	simm.s32 $0x1BFF;
	s21 =	sshll.u32 s6, $0x1;
	s3 =	sadd.s32 s19, s18  }
0xa2: {  	s7 =	simm.s32 $0x0;
	s20 =	sshll.u32 s5, $0x1;
	s5 =	sadd.s32 s21, s3  }
0xa3: {  	[timem:s7], [sflag:s22] =	dma.local [hbm:s5], s20  }
0xa4: {  	_ =	swait.ge [sflag:s22], s20  }
0xa5: {  	s4 =	ssub.s32 $0x0, s20;
	[sflag:s22] =	ssyncset.done $0x0  }
0xa6: {  	[sflag:s22] =	ssyncadd.s32 s4;
	_ =	sdelay $0x1  }
0xa7: {  	s23 =	simm.s32 $0x1B8B  }
0xa8: {  	_ =	swait.ge [sflag:s23], $0x1  }
0xa9: {  	[sflag:s23] =	ssyncset.done $0x0  }
0xaa: {  	s25 =	simm.s32 $0x1B8E;
	s24 =	sld [smem:$0x3FFE];
	[sflag:s23] =	ssyncadd.s32 $0xFFFFFFFF  }
0xab: {  	s26 =	simm.s32 $execute0_lowered;
	[smem:$0x3FD2] =	sst s25  }
0xac: {  	s5 =	sshll.u32 s26, $0x1;
	_ =	strace $0x80000049;
	[dreg:$0x1] =	wrdreg $0xFFFFFFFF  }
0xad: {  	s28 =	simm.s32 $_size_execute0_lowered;
	s3 =	sadd.s32 s3, s5;
	[dreg:$0x0] =	wrdreg $0x0  }
0xae: {  	s5 =	sshll.u32 s28, $0x1;
	[dreg:$0x2] =	wrdreg s3  }
0xaf: {  	[dreg:$0x3] =	wrdreg s5  }
0xb0: {  	[dreg:$0x4] =	wrdreg $0xC0  }
0xb1: {  	_ =	task [dreg:s7], $0x5FFFF  }
0xb2: {  	[dreg:$0x1] =	wrdreg $0xFFFFFFFF  }
0xb3: {  	[dreg:$0x0] =	wrdreg $0x60  }
0xb4: {  	[dreg:$0x2] =	wrdreg s24  }
0xb5: {  	[dreg:$0x3] =	wrdreg s16  }
0xb6: {  	[dreg:$0x4] =	wrdreg $0x9  }
0xb7: {  	_ =	task.clear_ibuf [dreg:s7], $0x5FFFF;
	_ =	strace $0x90000049  }
0xb8: {  	s29 =	simm.s32 $0x9;
	_ =	strace $0x8000004B  }
0xb9: {  	_ =	swait.ge [sflag:s29], $0x1  }
0xba: {  	[sflag:s29] =	ssyncadd.s32 $0xFFFFFFFF  }
0xbb: {  	_ =	strace $0x9000004B  }
0xbc: {  	_ =	sfence  }
0xbd: {  	s30 =	sld [smem:$0x0];
	_ =	sdelay $0x2  }
0xbe: {  	s31 =	sshll.u32 s1, $0xD;
	s1 =	sshrl.u32 s1, $0x2  }
0xbf: {  	s3 =	sand.u32 $0x4000, s31;
	s1 =	sadd.s32 s1, s30  }
0xc0: {  	s0 =	sor.u32 s3, s0;
	s1 =	sshll.u32 s1, $0x11  }
0xc1: {  	s0 =	sor.u32 s1, s0  }
0xc2: {  	s0 =	sadd.s32 $0x8F2B, s0  }
0xc3: {  	[sflag:s0] =	ssyncadd.remote.s32 $0x1  }
0xc4: {  	_ =	sfence.sel $0xFFFF  }
0xc5: {  	[dreg:$0x0] =	wrdreg $0xFFFFFFFF;
	(pc) =	sbr.abs _section_cstart, $3  }
0xc6: {  	[dreg:$0x1] =	wrdreg $0xFFFFFFFF  }
0xc7: {  	_ =	task.clear_ibuf [dreg:s7], $0x2FFFF;
	_ =	strace $0x9FFFFFFF  }
0xc8: {  	(tm) =	ssettm $0x7FFFFFFF  }
0xc9: {  	_ =	shalt  }
tec
execute0_lowered:
.L_overlay_start_1:
0x0: {  	(tag) =	ssettag $0x1  }
0x1: {  	s0 =	srdreg.scid  }
0x2: {  	s3 =	stileid.u32;
	s1 =	rddreg [dreg:$0x0]  }
0x3: {  	s4 =	rddreg [dreg:$0x1];
	s8 =	simm.s32 $0x2;
	s11 =	simm.s32 $0x880  }
0x4: {  	s12 =	simm.s32 $0x1080;
	s13 =	simm.s32 $0x1880;
	s14 =	simm.s32 $0x2080  }
0x5: {  	s15 =	simm.s32 $0x2880;
	s16 =	simm.s32 $0x3080;
	s17 =	simm.s32 $0x3880  }
0x6: {  	s18 =	simm.s32 $0x4080;
	s19 =	simm.s32 $0x4880;
	s20 =	simm.s32 $0x5080  }
0x7: {  	s21 =	simm.s32 $0x5880;
	s22 =	simm.s32 $0x6080;
	s28 =	simm.s32 $0x8880  }
0x8: {  	s29 =	simm.s32 $0x9080;
	s30 =	simm.s32 $0x9880;
	s0 =	sand.u32 $0x1, s0  }
0x9: {  	s31 =	simm.s32 $0xA080;
	s3 =	sshll.u32 s3, $0x3;
	s2 =	sshll.u32 s0, $0x7  }
0xa: {  	s0 =	ssub.s32 $0x2, s0;
	s5 =	sor.u32 s3, s2;
	s2 =	simm.s32 $0x0  }
0xb: {  	s3 =	sadd.s32 $0x31A00, s1;
	s24 =	sshrl.u32 s0, $0x1;
	s6 =	smul.u32 $0x300, s5  }
0xc: {  	[smem:$0x7FF] =	sst s2;
	s7 =	sadd.s32 s4, s5;
	s0 =	ssub.s32 s0, s24  }
0xd: {  	s5 =	sadd.s32 $0x31B00, s1;
	s4 =	simm.s32 $0x1;
	s24 =	simm.s32 $0x7080  }
0xe: {  	_ =	strace $0x8000004A;
	[dreg:$0x6] =	wrdreg s7;
	s25 =	sadd.s32 $0x100, s7  }
0xf: {  	s7 =	smax.u32 s0, $0x1;
	s0 =	simm.s32 $0x80;
	s6 =	sadd.s32 s6, s1  }
0x10: {  	v2 =	vlaneseq.u32;
	[dreg:$0x4] =	wrdreg s25;
	s25 =	simm.s32 $0x7880;
	s23 =	sadd.s32 $0xA9A00, s6  }
0x11: {  	vm0 =	vmmov $0xffff;
	v1 =	vshrl.u32 v2, $0x3;
	s26 =	sadd.s32 $0xD9A00, s6;
	s6 =	sadd.s32 $0x31C00, s1;
	[dreg:$0x3] =	wrdreg s23  }
0x12: {  	v0 =	vand.u32 $0x7, v2;
	v2 =	vor.u32 $0x8, v2;
	v1 =	vmul.u32 $0x8, v1;
	[dreg:$0x5] =	wrdreg s26;
	s23 =	simm.s32 $0x6880;
	s26 =	simm.s32 $0x8080  }
.LBB2_1:
0x13: {  	s10 =	rddreg [dreg:$0x6]  }
0x14: {  	[tilespmem:s2], [sflag:$0x2] =	stream.linear.gather [hbm4b:s10+s2], $0x40, $0x38;
	[tilespmem:$0xC080] =	vst v63  }
0x15: {  	_ =	swait.ge [sflag:s8], $0x40  }
0x16: {  	[sflag:s8] =	ssyncset.done $0x0  }
0x17: {  	[sflag:s8] =	ssyncadd.s32 $0xFFFFFFC0  }
0x18: {  	v3 =	vld [tilespmem:$0x0];
	_ =	sdelay $0x4  }
0x19: {  	v4 =	vshrl.u32 v3, $0x3  }
0x1a: {  	v4 =	vmul.u32 $0x30, v4  }
0x1b: {  	v3 =	vand.u32 $0x7, v3  }
0x1c: {  	v3 =	vor.u32 v3, v4  }
0x1d: {  	v4 =	vperm.xlane v3, v0;
	_ =	sdelay $0x1  }
0x1e: {  	v4 =	vadd.s32 v1, v4;
	_ =	sdelay $0x3  }
0x1f: {  	v3 =	vperm.xlane v3, v2  }
0x20: {  	[tilespmem:s0], [sflag:$0x1] =	stream.indirect_vreg.gather [hbm4b:s3+s2], $0x80, v4, vm0, $0xb8;
	[tilespmem:$0xC080] =	vst v63  }
0x21: {  	v3 =	vadd.s32 v1, v3  }
0x22: {  	[tilespmem:s11], [sflag:$0x1] =	stream.indirect_vreg.gather [hbm4b:s5+s2], $0x80, v4, vm0, $0xb8;
	[tilespmem:$0xC080] =	vst v63  }
0x23: {  	_ = 	snop  }
0x24: {  	[tilespmem:s12], [sflag:$0x1] =	stream.indirect_vreg.gather [hbm4b:s6+s2], $0x80, v4, vm0, $0xb8;
	[tilespmem:$0xC080] =	vst v63  }
0x25: {  	_ = 	snop  }
0x26: {  	[tilespmem:s13], [sflag:$0x1] =	stream.indirect_vreg.gather [hbm4b:s3+s2], $0x80, v3, vm0, $0xb8;
	[tilespmem:$0xC080] =	vst v63  }
0x27: {  	_ = 	snop  }
0x28: {  	[tilespmem:s14], [sflag:$0x1] =	stream.indirect_vreg.gather [hbm4b:s5+s2], $0x80, v3, vm0, $0xb8;
	[tilespmem:$0xC080] =	vst v63  }
0x29: {  	_ = 	snop  }
0x2a: {  	[tilespmem:s15], [sflag:$0x1] =	stream.indirect_vreg.gather [hbm4b:s6+s2], $0x80, v3, vm0, $0xb8;
	[tilespmem:$0xC080] =	vst v63  }
0x2b: {  	v3 =	vld [tilespmem:$0x10];
	_ =	sdelay $0x4  }
0x2c: {  	v57 =	vshrl.u32 v3, $0x3  }
0x2d: {  	v4 =	vmul.u32 $0x30, v57  }
0x2e: {  	v3 =	vand.u32 $0x7, v3  }
0x2f: {  	v3 =	vor.u32 v3, v4  }
0x30: {  	v4 =	vperm.xlane v3, v0;
	_ =	sdelay $0x1  }
0x31: {  	v4 =	vadd.s32 v1, v4;
	_ =	sdelay $0x3  }
0x32: {  	v3 =	vperm.xlane v3, v2  }
0x33: {  	[tilespmem:s16], [sflag:$0x1] =	stream.indirect_vreg.gather [hbm4b:s3+s2], $0x80, v4, vm0, $0xb8;
	[tilespmem:$0xC080] =	vst v63  }
0x34: {  	v3 =	vadd.s32 v1, v3  }
0x35: {  	[tilespmem:s17], [sflag:$0x1] =	stream.indirect_vreg.gather [hbm4b:s5+s2], $0x80, v4, vm0, $0xb8;
	[tilespmem:$0xC080] =	vst v63  }
0x36: {  	_ = 	snop  }
0x37: {  	[tilespmem:s18], [sflag:$0x1] =	stream.indirect_vreg.gather [hbm4b:s6+s2], $0x80, v4, vm0, $0xb8;
	[tilespmem:$0xC080] =	vst v63  }
0x38: {  	_ = 	snop  }
0x39: {  	[tilespmem:s19], [sflag:$0x1] =	stream.indirect_vreg.gather [hbm4b:s3+s2], $0x80, v3, vm0, $0xb8;
	[tilespmem:$0xC080] =	vst v63  }
0x3a: {  	_ = 	snop  }
0x3b: {  	[tilespmem:s20], [sflag:$0x1] =	stream.indirect_vreg.gather [hbm4b:s5+s2], $0x80, v3, vm0, $0xb8;
	[tilespmem:$0xC080] =	vst v63  }
0x3c: {  	_ = 	snop  }
0x3d: {  	[tilespmem:s21], [sflag:$0x1] =	stream.indirect_vreg.gather [hbm4b:s6+s2], $0x80, v3, vm0, $0xb8;
	[tilespmem:$0xC080] =	vst v63  }
0x3e: {  	v3 =	vld [tilespmem:$0x20];
	_ =	sdelay $0x4  }
0x3f: {  	v58 =	vshrl.u32 v3, $0x3  }
0x40: {  	v4 =	vmul.u32 $0x30, v58  }
0x41: {  	v3 =	vand.u32 $0x7, v3  }
0x42: {  	v3 =	vor.u32 v3, v4  }
0x43: {  	v4 =	vperm.xlane v3, v0;
	_ =	sdelay $0x1  }
0x44: {  	v4 =	vadd.s32 v1, v4;
	_ =	sdelay $0x3  }
0x45: {  	v3 =	vperm.xlane v3, v2  }
0x46: {  	[tilespmem:s22], [sflag:$0x1] =	stream.indirect_vreg.gather [hbm4b:s3+s2], $0x80, v4, vm0, $0xb8;
	[tilespmem:$0xC080] =	vst v63  }
0x47: {  	v3 =	vadd.s32 v1, v3  }
0x48: {  	[tilespmem:s23], [sflag:$0x1] =	stream.indirect_vreg.gather [hbm4b:s5+s2], $0x80, v4, vm0, $0xb8;
	[tilespmem:$0xC080] =	vst v63  }
0x49: {  	_ = 	snop  }
0x4a: {  	[tilespmem:s24], [sflag:$0x1] =	stream.indirect_vreg.gather [hbm4b:s6+s2], $0x80, v4, vm0, $0xb8;
	[tilespmem:$0xC080] =	vst v63  }
0x4b: {  	_ = 	snop  }
0x4c: {  	[tilespmem:s25], [sflag:$0x1] =	stream.indirect_vreg.gather [hbm4b:s3+s2], $0x80, v3, vm0, $0xb8;
	[tilespmem:$0xC080] =	vst v63  }
0x4d: {  	_ = 	snop  }
0x4e: {  	[tilespmem:s26], [sflag:$0x1] =	stream.indirect_vreg.gather [hbm4b:s5+s2], $0x80, v3, vm0, $0xb8;
	[tilespmem:$0xC080] =	vst v63  }
0x4f: {  	_ = 	snop  }
0x50: {  	[tilespmem:s28], [sflag:$0x1] =	stream.indirect_vreg.gather [hbm4b:s6+s2], $0x80, v3, vm0, $0xb8;
	[tilespmem:$0xC080] =	vst v63  }
0x51: {  	v3 =	vld [tilespmem:$0x30];
	_ =	sdelay $0x4  }
0x52: {  	v59 =	vshrl.u32 v3, $0x3  }
0x53: {  	v4 =	vmul.u32 $0x30, v59  }
0x54: {  	v3 =	vand.u32 $0x7, v3  }
0x55: {  	v3 =	vor.u32 v3, v4  }
0x56: {  	v4 =	vperm.xlane v3, v0;
	_ =	sdelay $0x1  }
0x57: {  	v4 =	vadd.s32 v1, v4;
	_ =	sdelay $0x3  }
0x58: {  	v3 =	vperm.xlane v3, v2  }
0x59: {  	[tilespmem:s29], [sflag:$0x1] =	stream.indirect_vreg.gather [hbm4b:s3+s2], $0x80, v4, vm0, $0xb8;
	[tilespmem:$0xC080] =	vst v63  }
0x5a: {  	v3 =	vadd.s32 v1, v3  }
0x5b: {  	[tilespmem:s30], [sflag:$0x1] =	stream.indirect_vreg.gather [hbm4b:s5+s2], $0x80, v4, vm0, $0xb8;
	[tilespmem:$0xC080] =	vst v63  }
0x5c: {  	_ = 	snop  }
0x5d: {  	[tilespmem:s31], [sflag:$0x1] =	stream.indirect_vreg.gather [hbm4b:s6+s2], $0x80, v4, vm0, $0xb8;
	[tilespmem:$0xC080] =	vst v63  }
0x5e: {  	s1 =	simm.s32 $0xA880  }
0x5f: {  	[tilespmem:s1], [sflag:$0x1] =	stream.indirect_vreg.gather [hbm4b:s3+s2], $0x80, v3, vm0, $0xb8;
	[tilespmem:$0xC080] =	vst v63  }
0x60: {  	s9 =	simm.s32 $0xB080  }
0x61: {  	[tilespmem:s9], [sflag:$0x1] =	stream.indirect_vreg.gather [hbm4b:s5+s2], $0x80, v3, vm0, $0xb8;
	[tilespmem:$0xC080] =	vst v63  }
0x62: {  	s9 =	simm.s32 $0xB880  }
0x63: {  	[tilespmem:s9], [sflag:$0x1] =	stream.indirect_vreg.gather [hbm4b:s6+s2], $0x80, v3, vm0, $0xb8;
	[tilespmem:$0xC080] =	vst v63  }
0x64: {  	_ =	swait.ge [sflag:s4], $0xC000  }
0x65: {  	[sflag:s4] =	ssyncset.done $0x0  }
0x66: {  	s10 =	rddreg [dreg:$0x3];
	[sflag:s4] =	ssyncadd.s32 $0xFFFF4000  }
0x67: {  	[hbm4b:s10+s2] =	stream.linear.scatter [tilespmem:s0], [sflag:$0x2], $0xC000, $0x38;
	[tilespmem:$0xC080] =	vst v63  }
0x68: {  	_ =	swait.ge [sflag:s8], $0xC000  }
0x69: {  	[sflag:s8] =	ssyncset.done $0x0  }
0x6a: {  	s10 =	rddreg [dreg:$0x4];
	[sflag:s8] =	ssyncadd.s32 $0xFFFF4000  }
0x6b: {  	[tilespmem:s2], [sflag:$0x2] =	stream.linear.gather [hbm4b:s10+s2], $0x40, $0x38;
	[tilespmem:$0xC080] =	vst v63  }
0x6c: {  	_ =	swait.ge [sflag:s8], $0x40  }
0x6d: {  	[sflag:s8] =	ssyncset.done $0x0  }
0x6e: {  	[sflag:s8] =	ssyncadd.s32 $0xFFFFFFC0  }
0x6f: {  	v3 =	vld [tilespmem:$0x0];
	_ =	sdelay $0x4  }
0x70: {  	v60 =	vshrl.u32 v3, $0x3  }
0x71: {  	v4 =	vmul.u32 $0x30, v60  }
0x72: {  	v3 =	vand.u32 $0x7, v3  }
0x73: {  	v3 =	vor.u32 v3, v4  }
0x74: {  	v4 =	vperm.xlane v3, v0;
	_ =	sdelay $0x1  }
0x75: {  	v4 =	vadd.s32 v1, v4;
	_ =	sdelay $0x3  }
0x76: {  	v3 =	vperm.xlane v3, v2  }
0x77: {  	[tilespmem:s0], [sflag:$0x1] =	stream.indirect_vreg.gather [hbm4b:s3+s2], $0x80, v4, vm0, $0xb8;
	[tilespmem:$0xC080] =	vst v63  }
0x78: {  	v3 =	vadd.s32 v1, v3  }
0x79: {  	[tilespmem:s11], [sflag:$0x1] =	stream.indirect_vreg.gather [hbm4b:s5+s2], $0x80, v4, vm0, $0xb8;
	[tilespmem:$0xC080] =	vst v63  }
0x7a: {  	_ = 	snop  }
0x7b: {  	[tilespmem:s12], [sflag:$0x1] =	stream.indirect_vreg.gather [hbm4b:s6+s2], $0x80, v4, vm0, $0xb8;
	[tilespmem:$0xC080] =	vst v63  }
0x7c: {  	_ = 	snop  }
0x7d: {  	[tilespmem:s13], [sflag:$0x1] =	stream.indirect_vreg.gather [hbm4b:s3+s2], $0x80, v3, vm0, $0xb8;
	[tilespmem:$0xC080] =	vst v63  }
0x7e: {  	_ = 	snop  }
0x7f: {  	[tilespmem:s14], [sflag:$0x1] =	stream.indirect_vreg.gather [hbm4b:s5+s2], $0x80, v3, vm0, $0xb8;
	[tilespmem:$0xC080] =	vst v63  }
0x80: {  	_ = 	snop  }
0x81: {  	[tilespmem:s15], [sflag:$0x1] =	stream.indirect_vreg.gather [hbm4b:s6+s2], $0x80, v3, vm0, $0xb8;
	[tilespmem:$0xC080] =	vst v63  }
0x82: {  	v3 =	vld [tilespmem:$0x10];
	_ =	sdelay $0x4  }
0x83: {  	v61 =	vshrl.u32 v3, $0x3  }
0x84: {  	v4 =	vmul.u32 $0x30, v61  }
0x85: {  	v3 =	vand.u32 $0x7, v3  }
0x86: {  	v3 =	vor.u32 v3, v4  }
0x87: {  	v4 =	vperm.xlane v3, v0;
	_ =	sdelay $0x1  }
0x88: {  	v4 =	vadd.s32 v1, v4;
	_ =	sdelay $0x3  }
0x89: {  	v3 =	vperm.xlane v3, v2  }
0x8a: {  	[tilespmem:s16], [sflag:$0x1] =	stream.indirect_vreg.gather [hbm4b:s3+s2], $0x80, v4, vm0, $0xb8;
	[tilespmem:$0xC080] =	vst v63  }
0x8b: {  	v3 =	vadd.s32 v1, v3  }
0x8c: {  	[tilespmem:s17], [sflag:$0x1] =	stream.indirect_vreg.gather [hbm4b:s5+s2], $0x80, v4, vm0, $0xb8;
	[tilespmem:$0xC080] =	vst v63  }
0x8d: {  	_ = 	snop  }
0x8e: {  	[tilespmem:s18], [sflag:$0x1] =	stream.indirect_vreg.gather [hbm4b:s6+s2], $0x80, v4, vm0, $0xb8;
	[tilespmem:$0xC080] =	vst v63  }
0x8f: {  	_ = 	snop  }
0x90: {  	[tilespmem:s19], [sflag:$0x1] =	stream.indirect_vreg.gather [hbm4b:s3+s2], $0x80, v3, vm0, $0xb8;
	[tilespmem:$0xC080] =	vst v63  }
0x91: {  	_ = 	snop  }
0x92: {  	[tilespmem:s20], [sflag:$0x1] =	stream.indirect_vreg.gather [hbm4b:s5+s2], $0x80, v3, vm0, $0xb8;
	[tilespmem:$0xC080] =	vst v63  }
0x93: {  	_ = 	snop  }
0x94: {  	[tilespmem:s21], [sflag:$0x1] =	stream.indirect_vreg.gather [hbm4b:s6+s2], $0x80, v3, vm0, $0xb8;
	[tilespmem:$0xC080] =	vst v63  }
0x95: {  	v3 =	vld [tilespmem:$0x20];
	_ =	sdelay $0x4  }
0x96: {  	v62 =	vshrl.u32 v3, $0x3  }
0x97: {  	v4 =	vmul.u32 $0x30, v62  }
0x98: {  	v3 =	vand.u32 $0x7, v3  }
0x99: {  	v3 =	vor.u32 v3, v4  }
0x9a: {  	v4 =	vperm.xlane v3, v0;
	_ =	sdelay $0x1  }
0x9b: {  	v4 =	vadd.s32 v1, v4;
	_ =	sdelay $0x3  }
0x9c: {  	v3 =	vperm.xlane v3, v2  }
0x9d: {  	[tilespmem:s22], [sflag:$0x1] =	stream.indirect_vreg.gather [hbm4b:s3+s2], $0x80, v4, vm0, $0xb8;
	[tilespmem:$0xC080] =	vst v63  }
0x9e: {  	v3 =	vadd.s32 v1, v3  }
0x9f: {  	[tilespmem:s23], [sflag:$0x1] =	stream.indirect_vreg.gather [hbm4b:s5+s2], $0x80, v4, vm0, $0xb8;
	[tilespmem:$0xC080] =	vst v63  }
0xa0: {  	_ = 	snop  }
0xa1: {  	[tilespmem:s24], [sflag:$0x1] =	stream.indirect_vreg.gather [hbm4b:s6+s2], $0x80, v4, vm0, $0xb8;
	[tilespmem:$0xC080] =	vst v63  }
0xa2: {  	_ = 	snop  }
0xa3: {  	[tilespmem:s25], [sflag:$0x1] =	stream.indirect_vreg.gather [hbm4b:s3+s2], $0x80, v3, vm0, $0xb8;
	[tilespmem:$0xC080] =	vst v63  }
0xa4: {  	_ = 	snop  }
0xa5: {  	[tilespmem:s26], [sflag:$0x1] =	stream.indirect_vreg.gather [hbm4b:s5+s2], $0x80, v3, vm0, $0xb8;
	[tilespmem:$0xC080] =	vst v63  }
0xa6: {  	_ = 	snop  }
0xa7: {  	[tilespmem:s28], [sflag:$0x1] =	stream.indirect_vreg.gather [hbm4b:s6+s2], $0x80, v3, vm0, $0xb8;
	[tilespmem:$0xC080] =	vst v63  }
0xa8: {  	v3 =	vld [tilespmem:$0x30];
	_ =	sdelay $0x4  }
0xa9: {  	v63 =	vshrl.u32 v3, $0x3  }
0xaa: {  	v4 =	vmul.u32 $0x30, v63  }
0xab: {  	v3 =	vand.u32 $0x7, v3  }
0xac: {  	v3 =	vor.u32 v3, v4  }
0xad: {  	v4 =	vperm.xlane v3, v0;
	_ =	sdelay $0x1  }
0xae: {  	v4 =	vadd.s32 v1, v4;
	_ =	sdelay $0x3  }
0xaf: {  	v3 =	vperm.xlane v3, v2  }
0xb0: {  	[tilespmem:s29], [sflag:$0x1] =	stream.indirect_vreg.gather [hbm4b:s3+s2], $0x80, v4, vm0, $0xb8;
	[tilespmem:$0xC080] =	vst v63  }
0xb1: {  	v3 =	vadd.s32 v1, v3  }
0xb2: {  	[tilespmem:s30], [sflag:$0x1] =	stream.indirect_vreg.gather [hbm4b:s5+s2], $0x80, v4, vm0, $0xb8;
	[tilespmem:$0xC080] =	vst v63  }
0xb3: {  	_ = 	snop  }
0xb4: {  	[tilespmem:s31], [sflag:$0x1] =	stream.indirect_vreg.gather [hbm4b:s6+s2], $0x80, v4, vm0, $0xb8;
	[tilespmem:$0xC080] =	vst v63  }
0xb5: {  	_ = 	snop  }
0xb6: {  	[tilespmem:s1], [sflag:$0x1] =	stream.indirect_vreg.gather [hbm4b:s3+s2], $0x80, v3, vm0, $0xb8;
	[tilespmem:$0xC080] =	vst v63  }
0xb7: {  	s10 =	simm.s32 $0xB080  }
0xb8: {  	[tilespmem:s10], [sflag:$0x1] =	stream.indirect_vreg.gather [hbm4b:s5+s2], $0x80, v3, vm0, $0xb8;
	[tilespmem:$0xC080] =	vst v63  }
0xb9: {  	_ = 	snop  }
0xba: {  	[tilespmem:s9], [sflag:$0x1] =	stream.indirect_vreg.gather [hbm4b:s6+s2], $0x80, v3, vm0, $0xb8;
	[tilespmem:$0xC080] =	vst v63  }
0xbb: {  	_ =	swait.ge [sflag:s4], $0xC000  }
0xbc: {  	p0 =	sne.s32 s7, $0x1;
	[sflag:s4] =	ssyncset.done $0x0  }
.Ltmp0:
0xbd: {  	s9 =	rddreg [dreg:$0x5];
	[sflag:s4] =	ssyncadd.s32 $0xFFFF4000;
	(pc) =	sbr.rel @p0 .LBB2_1-.Ltmp0, $4  }
0xbe: {  	[hbm4b:s9+s2] =	stream.linear.scatter [tilespmem:s0], [sflag:$0x2], $0xC000, $0x38;
	[tilespmem:$0xC080] =	vst v63  }
0xbf: {  	_ =	swait.ge [sflag:s8], $0xC000  }
0xc0: {  	[sflag:s8] =	ssyncset.done $0x0  }
0xc1: {  	s7 =	sadd.s32 $0xFFFFFFFF, s7;
	[sflag:s8] =	ssyncadd.s32 $0xFFFF4000  }
0xc2: {  	_ =	sfence.sel $0x180000  }
0xc3: {  	[bflag:$0x0] =	sbarrier.arrive $0xFFFF  }
0xc4: {  	_ =	strace $0x9000004A  }
0xc5: {  	s0 =	stileid.u32;
	[bflag:$0x2] =	sbarrier.arrive $0xFFFF  }
0xc6: {  	p0 =	sne.s32 s0, $0x0;
	s0 =	rddreg [dreg:$0x2]  }
0xc7: {  	s0 =	sadd.s32 @!p0 $0x100000, s0  }
0xc8: {  	[sflag:s0] =	ssyncadd.tile.s32 @!p0 $0x1;
	_ =	shalt  }
.Lfunc_end2:
_tile_overlayer_lowered:
.L_overlay_start_2:
0xc9: {  	(tag) =	ssettag $0x2  }
0xca: {  	s0 =	rddreg [dreg:$0x0];
	s2 =	stileid.u32  }
0xcb: {  	s1 =	rddreg [dreg:$0x1];
	p0 =	sne.s32 s2, $0x0  }
0xcc: {  	s3 =	rddreg [dreg:$0x2];
	[bflag:$0x3] =	sbarrier.arrive $0xFFFF;
	s2 =	simm.s32 @!p0 $0x1C02  }
0xcd: {  	[timem:s3], [sflag:s2] =	dma.local @!p0 [hbm:s0], s1  }
0xce: {  	s0 =	simm.s32 @!p0 $0x2  }
0xcf: {  	_ =	swait.ge @!p0 [sflag:s0], s1  }
0xd0: {  	s1 =	ssub.s32 @!p0 $0x0, s1;
	[sflag:s0] =	ssyncset.done @!p0 $0x0  }
0xd1: {  	[sflag:s0] =	ssyncadd.s32 @!p0 s1  }
0xd2: {  	[bflag:$0x3] =	sbarrier.arrive $0xFFFF  }
0xd3: {  	_ =	shalt  }

</sc_bundles>
